<compile_context>
chip_gen: v7x
topology: tpu7x:2x2x1
jax: 0.10.2.dev20260603
libtpu: 0.0.44.dev20260713+nightly
codegen_flags: <defaults>
</compile_context>

<pallas_src>
import functools

import jax
import jax.numpy as jnp
from jax import lax
from jax.experimental import pallas as pl
from jax.experimental.pallas import tpu as pltpu
from jax.experimental.pallas import tpu_sc as plsc

K_CODES = 8192
D = 256
NB = 8
HW = 1024
N_TOK = NB * HW
KB = 2048
NKB = K_CODES // KB

def _assign_body(x_ref, e_ref, idx_ref, bestd_ref):
    k = pl.program_id(0)
    b = pl.program_id(1)
    x = x_ref[0]
    e = e_ref[...]
    eb2 = e.astype(jnp.bfloat16) * jnp.asarray(2.0, jnp.bfloat16)
    h = lax.dot_general(eb2, x.astype(jnp.bfloat16),
                        (((1,), (0,)), ((), ())),
                        preferred_element_type=jnp.float32)
    en = jnp.sum(e * e, axis=1, keepdims=True)
    xn = jnp.sum(x * x, axis=0, keepdims=True)
    d2 = (en + xn) - h
    mraw = jnp.min(d2, axis=0, keepdims=True)
    m = jnp.maximum(mraw, 0.0)
    lmin = jnp.sqrt(m)
    sn = lax.bitcast_convert_type(
        lax.bitcast_convert_type(lmin, jnp.int32) + 1, jnp.float32)
    t = sn * sn
    for _ in range(4):
        tdn = lax.bitcast_convert_type(
            lax.bitcast_convert_type(t, jnp.int32) - 1, jnp.float32)
        t = jnp.where(jnp.sqrt(t) >= sn, tdn, t)
    for _ in range(4):
        tup = lax.bitcast_convert_type(
            lax.bitcast_convert_type(t, jnp.int32) + 1, jnp.float32)
        t = jnp.where(jnp.sqrt(tup) < sn, tup, t)
    t = jnp.where(m == 0.0, 0.0, jnp.maximum(t, mraw))
    rows = lax.broadcasted_iota(jnp.int32, (KB, HW), 0).astype(jnp.float32)
    larg = jnp.min(jnp.where(d2 <= t, rows, float(K_CODES)),
                   axis=0, keepdims=True).astype(jnp.int32) + k * KB

    @pl.when(k == 0)
    def _init():
        bestd_ref[pl.ds(b, 1), :] = lmin
        idx_ref[pl.ds(b, 1), :] = larg

    @pl.when(k > 0)
    def _update():
        prev_d = bestd_ref[pl.ds(b, 1), :]
        prev_i = idx_ref[pl.ds(b, 1), :]
        better = lmin < prev_d
        bestd_ref[pl.ds(b, 1), :] = jnp.where(better, lmin, prev_d)
        idx_ref[pl.ds(b, 1), :] = jnp.where(better, larg, prev_i)


def _assign(x3, embedding):
    return pl.pallas_call(
        _assign_body,
        grid=(NKB, NB),
        in_specs=[
            pl.BlockSpec((1, D, HW), lambda k, b: (b, 0, 0)),
            pl.BlockSpec((KB, D), lambda k, b: (k, 0)),
        ],
        out_specs=pl.BlockSpec((NB, HW), lambda k, b: (0, 0)),
        out_shape=jax.ShapeDtypeStruct((NB, HW), jnp.int32),
        scratch_shapes=[pltpu.VMEM((NB, HW), jnp.float32)],
        compiler_params=pltpu.CompilerParams(
            dimension_semantics=("arbitrary", "arbitrary")),
    )(x3, embedding)


NC = 2
NS = 16
NW = NC * NS
ROWS_PER_W = N_TOK // NW
IDX_ROWS_PER_W = ROWS_PER_W // 128


def _sc_gather_counts(idx64, embedding):
    mesh = plsc.VectorSubcoreMesh(core_axis_name="c", subcore_axis_name="s")

    @functools.partial(
        pl.kernel,
        mesh=mesh,
        out_type=[
            jax.ShapeDtypeStruct((N_TOK, D), jnp.float32),
            jax.ShapeDtypeStruct((NC, K_CODES), jnp.float32),
        ],
        scratch_types=[
            pltpu.VMEM((IDX_ROWS_PER_W, 128), jnp.int32),
            pltpu.VMEM((ROWS_PER_W, D), jnp.float32),
            pltpu.VMEM((128,), jnp.float32),
            pltpu.VMEM((K_CODES // NS,), jnp.float32),
            pltpu.VMEM_SHARED((K_CODES,), jnp.float32),
            pltpu.SemaphoreType.DMA,
        ],
    )
    def sc_kernel(idx_hbm, table_hbm, qout_hbm, counts_hbm,
                  idx_v, rows_v, ones_v, zeros_v, counts_sh, sem):
        cid = lax.axis_index("c")
        sid = lax.axis_index("s")
        wid = cid * NS + sid

        pltpu.sync_copy(idx_hbm.at[pl.ds(wid * IDX_ROWS_PER_W, IDX_ROWS_PER_W)],
                        idx_v)
        cp0 = pltpu.async_copy(table_hbm.at[idx_v.at[0]],
                               rows_v.at[pl.ds(0, 128)], sem)
        cp1 = pltpu.async_copy(table_hbm.at[idx_v.at[1]],
                               rows_v.at[pl.ds(128, 128)], sem)

        def _z(i, carry):
            zeros_v[pl.ds(i * 16, 16)] = jnp.zeros((16,), jnp.float32)
            return carry
        lax.fori_loop(0, (K_CODES // NS) // 16, _z, 0)
        pltpu.sync_copy(zeros_v,
                        counts_sh.at[pl.ds(sid * (K_CODES // NS),
                                           K_CODES // NS)])
        for j in range(128 // 16):
            ones_v[pl.ds(j * 16, 16)] = jnp.ones((16,), jnp.float32)
        plsc.subcore_barrier()

        pltpu.sync_copy(ones_v, counts_sh.at[idx_v.at[0]], add=True)
        pltpu.sync_copy(ones_v, counts_sh.at[idx_v.at[1]], add=True)
        plsc.subcore_barrier()

        @pl.when(sid == 0)
        def _dump_counts():
            pltpu.sync_copy(counts_sh, counts_hbm.at[cid])

        cp0.wait()
        cp1.wait()
        pltpu.sync_copy(rows_v, qout_hbm.at[pl.ds(wid * ROWS_PER_W,
                                                  ROWS_PER_W)])

    return sc_kernel(idx64, embedding)


def _finish_body(x_ref, q_ref, c_ref, qst_ref, loss_ref, perp_ref):
    b = pl.program_id(0)
    x = x_ref[0]
    q = q_ref[...]
    qt = jnp.transpose(q, (1, 0))
    qst_ref[0] = x + (qt - x)
    diff = x - qt
    part = jnp.sum(diff * diff)

    @pl.when(b == 0)
    def _first():
        loss_ref[0, 0] = part
        csum = c_ref[0] + c_ref[1]
        p = csum * (1.0 / N_TOK)
        ent = jnp.sum(p * jnp.log(p + 1e-10))
        perp_ref[0, 0] = jnp.exp(-ent)

    @pl.when(b > 0)
    def _acc():
        loss_ref[0, 0] += part

    @pl.when(b == NB - 1)
    def _final():
        loss_ref[0, 0] = loss_ref[0, 0] * (0.25 / (N_TOK * D))


def _finish(x3, qflat, counts3):
    return pl.pallas_call(
        _finish_body,
        grid=(NB,),
        in_specs=[
            pl.BlockSpec((1, D, HW), lambda b: (b, 0, 0)),
            pl.BlockSpec((HW, D), lambda b: (b, 0)),
            pl.BlockSpec((NC, 64, 128), lambda b: (0, 0, 0)),
        ],
        out_specs=[
            pl.BlockSpec((1, D, HW), lambda b: (b, 0, 0)),
            pl.BlockSpec(memory_space=pltpu.SMEM),
            pl.BlockSpec(memory_space=pltpu.SMEM),
        ],
        out_shape=[
            jax.ShapeDtypeStruct((NB, D, HW), jnp.float32),
            jax.ShapeDtypeStruct((1, 1), jnp.float32),
            jax.ShapeDtypeStruct((1, 1), jnp.float32),
        ],
        compiler_params=pltpu.CompilerParams(
            dimension_semantics=("arbitrary",)),
    )(x3, qflat, counts3)


def kernel(x, embedding):
    x3 = x.reshape(NB, D, HW)
    idx = _assign(x3, embedding)
    idx64 = idx.reshape(N_TOK // 128, 128)
    qflat, counts = _sc_gather_counts(idx64, embedding)
    counts3 = counts.reshape(NC, 64, 128)
    qst3, loss, perp = _finish(x3, qflat, counts3)
    return (qst3.reshape(NB, D, 32, 32), loss[0, 0], perp[0, 0])

# --- scband reference (transcript-rebuilt; emitter-appended) ---
"""Pipeline reference for scband-vector-quantizer-ema-18159121727585 (READ-ONLY COPY).

The authoritative reference and input builder live on the scoring server;
editing this copy changes nothing except your own understanding.
"""

import jax, jax.numpy as jnp
import numpy as np

NUM_EMBEDDINGS = 8192
EMBEDDING_DIM = 256
COMMITMENT_COST = 0.25


def setup_inputs(seed: int = 0) -> dict:
    key = jax.random.key(seed)
    k1, k2 = jax.random.split(key)
    x = jax.random.normal(k1, (8, 256, 32, 32), dtype=jnp.float32)
    embed = jax.random.normal(k2, (NUM_EMBEDDINGS, EMBEDDING_DIM), dtype=jnp.float32) * 0.1
    embed = embed / jnp.linalg.norm(embed, axis=1, keepdims=True)
    return {"x": x, "embedding": embed}


def reference(x, embedding):
    K, D = embedding.shape
    # permute channels-first -> channels-last: [0, 2, 3, 1]
    permuted = jnp.transpose(x, (0, 2, 3, 1))
    flat = permuted.reshape(-1, D)
    # torch.cdist(flat, embedding, p=2) via expanded quadratic form
    d2 = (jnp.sum(flat * flat, axis=1, keepdims=True)
          + jnp.sum(embedding * embedding, axis=1)[None, :]
          - 2.0 * (flat @ embedding.T))
    distances = jnp.sqrt(jnp.clip(d2, 0.0, None))
    encoding_indices = jnp.argmin(distances, axis=1)
    encodings = jax.nn.one_hot(encoding_indices, K, dtype=flat.dtype)
    quantized = encodings @ embedding
    quantized = quantized.reshape(permuted.shape)
    # permute back: [0, 3, 1, 2]
    quantized = jnp.transpose(quantized, (0, 3, 1, 2))
    commitment_loss = COMMITMENT_COST * jnp.mean((x - jax.lax.stop_gradient(quantized)) ** 2)
    loss = commitment_loss
    quantized_st = x + jax.lax.stop_gradient(quantized - x)
    avg_probs = jnp.mean(encodings, axis=0)
    perplexity = jnp.exp(-jnp.sum(avg_probs * jnp.log(avg_probs + 1e-10)))
    return (quantized_st, loss, perplexity)

if __name__ == "__main__":
    import jax
    _d = setup_inputs()
    print(jax.jit(kernel)(*tuple(_d.values())))

</pallas_src>

<mosaic_0001>
#map = affine_map<(d0, d1) -> (0, 0)>
module attributes {stable_mosaic.version = 14 : i64} {
  func.func @sc_kernel(%arg0: i32, %arg1: i32, %arg2: memref<64x128xi32, #tpu.memory_space<hbm>>, %arg3: memref<8192x256xf32, #tpu.memory_space<hbm>>, %arg4: memref<8192x256xf32, #tpu.memory_space<hbm>>, %arg5: memref<2x8192xf32, #tpu.memory_space<hbm>>, %arg6: memref<2x128xi32, #tpu.memory_space<vmem>>, %arg7: memref<256x256xf32, #tpu.memory_space<vmem>>, %arg8: memref<128xf32, #tpu.memory_space<vmem>>, %arg9: memref<512xf32, #tpu.memory_space<vmem>>, %arg10: memref<8192xf32, #tpu.memory_space<vmem_shared>>, %arg11: memref<!tpu.dma_semaphore, #tpu.memory_space<semaphore_mem>>) attributes {dimension_semantics = [#tpu.dimension_semantics<core_parallel>, #tpu.dimension_semantics<subcore_parallel>], iteration_bounds = array<i64: 2, 16>, scalar_prefetch = 0 : i64, scratch_operands = 6 : i64, tpu.core_type = #tpu.core_type<sc_vector_subcore>, window_params = [{transform_indices = #map}, {transform_indices = #map}, {transform_indices = #map}, {transform_indices = #map}]} {
    %mul3A = arith.constant 16 : i32
    %mul3A_0 = arith.muli %arg0, %mul3A : i32
    %add3A = arith.addi %mul3A_0, %arg1 : i32
    %mul3A_1 = arith.constant 2 : i32
    %mul3A_2 = arith.muli %add3A, %mul3A_1 : i32
    "tpu.region"() ({
      %run_scoped3A_100 = tpu.sem_alloc : memref<!tpu.dma_semaphore, #tpu.memory_space<semaphore_mem>>
      %dma_start3A_101 = arith.constant 0 : i32
      %dma_start3A_102 = tpu.memref_slice %arg2[%mul3A_2, %dma_start3A_101] : memref<64x128xi32, #tpu.memory_space<hbm>> -> memref<2x128xi32, #tpu.memory_space<hbm>>
      %dma_start3A_103 = arith.constant 0 : i32
      %dma_start3A_104 = tpu.memref_slice %arg2[%mul3A_2, %dma_start3A_103] : memref<64x128xi32, #tpu.memory_space<hbm>> -> memref<2x128xi32, #tpu.memory_space<hbm>>
      tpu.enqueue_dma source(%dma_start3A_104 : memref<2x128xi32, #tpu.memory_space<hbm>>) target(%arg6 : memref<2x128xi32, #tpu.memory_space<vmem>>) target_semaphore(%run_scoped3A_100 : memref<!tpu.dma_semaphore, #tpu.memory_space<semaphore_mem>>)
      %dma_wait3A_105 = arith.constant 0 : i32
      %dma_wait3A_106 = tpu.memref_slice %arg2[%mul3A_2, %dma_wait3A_105] : memref<64x128xi32, #tpu.memory_space<hbm>> -> memref<2x128xi32, #tpu.memory_space<hbm>>
      %dma_wait3A_107 = arith.constant 0 : i32
      %dma_wait3A_108 = tpu.memref_slice %arg2[%mul3A_2, %dma_wait3A_107] : memref<64x128xi32, #tpu.memory_space<hbm>> -> memref<2x128xi32, #tpu.memory_space<hbm>>
      tpu.wait_dma2 semaphore(%run_scoped3A_100 : memref<!tpu.dma_semaphore, #tpu.memory_space<semaphore_mem>>) src(%dma_wait3A_108 : memref<2x128xi32, #tpu.memory_space<hbm>>) dst(%arg6 : memref<2x128xi32, #tpu.memory_space<vmem>>)
      tpu.yield
    }) : () -> ()
    %dma_start3A = arith.constant 0 : i32
    %dma_start3A_3 = arith.constant 0 : i32
    %dma_start3A_4 = arith.constant 0 : i32
    %dma_start3A_5 = tpu.memref_slice %arg7[%dma_start3A_3, %dma_start3A_4] : memref<256x256xf32, #tpu.memory_space<vmem>> -> memref<128x256xf32, #tpu.memory_space<vmem>>
    %dma_start3A_6 = arith.constant 0 : i32
    %dma_start3A_7 = tpu.memref_slice %arg6[%dma_start3A, %dma_start3A_6] : memref<2x128xi32, #tpu.memory_space<vmem>> -> memref<1x128xi32, #tpu.memory_space<vmem>>
    %dma_start3A_8 = tpu.memref_squeeze %dma_start3A_7 : memref<1x128xi32, #tpu.memory_space<vmem>> -> memref<128xi32, #tpu.memory_space<vmem>>
    %dma_start3A_9 = arith.constant 0 : i32
    %dma_start3A_10 = arith.constant 0 : i32
    %dma_start3A_11 = tpu.memref_slice %arg3[%dma_start3A_9, %dma_start3A_10] : memref<8192x256xf32, #tpu.memory_space<hbm>> -> memref<8192x256xf32, #tpu.memory_space<hbm>>
    tpu.enqueue_indirect_dma source(%dma_start3A_11 : memref<8192x256xf32, #tpu.memory_space<hbm>>) target(%dma_start3A_5 : memref<128x256xf32, #tpu.memory_space<vmem>>) offsets(%dma_start3A_8 : memref<128xi32, #tpu.memory_space<vmem>>) semaphore(%arg11 : memref<!tpu.dma_semaphore, #tpu.memory_space<semaphore_mem>>)
    %dma_start3A_12 = arith.constant 1 : i32
    %dma_start3A_13 = arith.constant 128 : i32
    %dma_start3A_14 = arith.constant 0 : i32
    %dma_start3A_15 = tpu.memref_slice %arg7[%dma_start3A_13, %dma_start3A_14] : memref<256x256xf32, #tpu.memory_space<vmem>> -> memref<128x256xf32, #tpu.memory_space<vmem>>
    %dma_start3A_16 = arith.constant 0 : i32
    %dma_start3A_17 = tpu.memref_slice %arg6[%dma_start3A_12, %dma_start3A_16] : memref<2x128xi32, #tpu.memory_space<vmem>> -> memref<1x128xi32, #tpu.memory_space<vmem>>
    %dma_start3A_18 = tpu.memref_squeeze %dma_start3A_17 : memref<1x128xi32, #tpu.memory_space<vmem>> -> memref<128xi32, #tpu.memory_space<vmem>>
    %dma_start3A_19 = arith.constant 0 : i32
    %dma_start3A_20 = arith.constant 0 : i32
    %dma_start3A_21 = tpu.memref_slice %arg3[%dma_start3A_19, %dma_start3A_20] : memref<8192x256xf32, #tpu.memory_space<hbm>> -> memref<8192x256xf32, #tpu.memory_space<hbm>>
    tpu.enqueue_indirect_dma source(%dma_start3A_21 : memref<8192x256xf32, #tpu.memory_space<hbm>>) target(%dma_start3A_15 : memref<128x256xf32, #tpu.memory_space<vmem>>) offsets(%dma_start3A_18 : memref<128xi32, #tpu.memory_space<vmem>>) semaphore(%arg11 : memref<!tpu.dma_semaphore, #tpu.memory_space<semaphore_mem>>)
    %scan3A = arith.constant 0 : i32
    %scan3A_22 = arith.constant 0 : i32
    %scan3A_23 = arith.constant 32 : i32
    %scan3A_24 = arith.addi %scan3A_22, %scan3A_23 : i32
    %scan3A_25 = arith.constant 1 : i32
    scf.for %scan3A_100 = %scan3A_22 to %scan3A_24 step %scan3A_25  : i32 {
      %broadcast_in_dim3A_101 = arith.constant 0.000000e+00 : f32
      %broadcast_in_dim3A_102 = vector.broadcast %broadcast_in_dim3A_101 : f32 to vector<16xf32>
      %mul3A_103 = arith.constant 16 : i32
      %mul3A_104 = arith.muli %scan3A_100, %mul3A_103 : i32
      %swap3A_105 = arith.index_cast %mul3A_104 : i32 to index
      %swap3A_106 = tpu.vector_load %arg9[%swap3A_105] {strides = array<i32>} : memref<512xf32, #tpu.memory_space<vmem>>, vector<16xf32>,
      %swap3A_107 = vector.shape_cast %swap3A_106 : vector<16xf32> to vector<16xf32>
      %swap3A_108 = vector.shape_cast %broadcast_in_dim3A_102 : vector<16xf32> to vector<16xf32>
      tpu.vector_store %arg9[%swap3A_105], %swap3A_108 {strides = array<i32>} : memref<512xf32, #tpu.memory_space<vmem>>, vector<16xf32>,
    }
    %scan3A_26 = arith.constant 32 : i32
    %mul3A_27 = arith.constant 512 : i32
    %mul3A_28 = arith.muli %arg1, %mul3A_27 : i32
    "tpu.region"() ({
      %run_scoped3A_100 = tpu.sem_alloc : memref<!tpu.dma_semaphore, #tpu.memory_space<semaphore_mem>>
      %dma_start3A_101 = tpu.memref_slice %arg10[%mul3A_28] : memref<8192xf32, #tpu.memory_space<vmem_shared>> -> memref<512xf32, #tpu.memory_space<vmem_shared>>
      %dma_start3A_102 = tpu.memref_slice %arg10[%mul3A_28] : memref<8192xf32, #tpu.memory_space<vmem_shared>> -> memref<512xf32, #tpu.memory_space<vmem_shared>>
      tpu.enqueue_dma source(%arg9 : memref<512xf32, #tpu.memory_space<vmem>>) target(%dma_start3A_102 : memref<512xf32, #tpu.memory_space<vmem_shared>>) target_semaphore(%run_scoped3A_100 : memref<!tpu.dma_semaphore, #tpu.memory_space<semaphore_mem>>)
      %dma_wait3A_103 = tpu.memref_slice %arg10[%mul3A_28] : memref<8192xf32, #tpu.memory_space<vmem_shared>> -> memref<512xf32, #tpu.memory_space<vmem_shared>>
      %dma_wait3A_104 = tpu.memref_slice %arg10[%mul3A_28] : memref<8192xf32, #tpu.memory_space<vmem_shared>> -> memref<512xf32, #tpu.memory_space<vmem_shared>>
      tpu.wait_dma2 semaphore(%run_scoped3A_100 : memref<!tpu.dma_semaphore, #tpu.memory_space<semaphore_mem>>) src(%arg9 : memref<512xf32, #tpu.memory_space<vmem>>) dst(%dma_wait3A_104 : memref<512xf32, #tpu.memory_space<vmem_shared>>)
      tpu.yield
    }) : () -> ()
    %broadcast_in_dim3A = arith.constant 1.000000e+00 : f32
    %broadcast_in_dim3A_29 = vector.broadcast %broadcast_in_dim3A : f32 to vector<16xf32>
    %swap3A = arith.constant 0 : index
    %swap3A_30 = tpu.vector_load %arg8[%swap3A] {strides = array<i32>} : memref<128xf32, #tpu.memory_space<vmem>>, vector<16xf32>,
    %swap3A_31 = vector.shape_cast %swap3A_30 : vector<16xf32> to vector<16xf32>
    %swap3A_32 = vector.shape_cast %broadcast_in_dim3A_29 : vector<16xf32> to vector<16xf32>
    tpu.vector_store %arg8[%swap3A], %swap3A_32 {strides = array<i32>} : memref<128xf32, #tpu.memory_space<vmem>>, vector<16xf32>,
    %broadcast_in_dim3A_33 = arith.constant 1.000000e+00 : f32
    %broadcast_in_dim3A_34 = vector.broadcast %broadcast_in_dim3A_33 : f32 to vector<16xf32>
    %swap3A_35 = arith.constant 16 : index
    %swap3A_36 = tpu.vector_load %arg8[%swap3A_35] {strides = array<i32>} : memref<128xf32, #tpu.memory_space<vmem>>, vector<16xf32>,
    %swap3A_37 = vector.shape_cast %swap3A_36 : vector<16xf32> to vector<16xf32>
    %swap3A_38 = vector.shape_cast %broadcast_in_dim3A_34 : vector<16xf32> to vector<16xf32>
    tpu.vector_store %arg8[%swap3A_35], %swap3A_38 {strides = array<i32>} : memref<128xf32, #tpu.memory_space<vmem>>, vector<16xf32>,
    %broadcast_in_dim3A_39 = arith.constant 1.000000e+00 : f32
    %broadcast_in_dim3A_40 = vector.broadcast %broadcast_in_dim3A_39 : f32 to vector<16xf32>
    %swap3A_41 = arith.constant 32 : index
    %swap3A_42 = tpu.vector_load %arg8[%swap3A_41] {strides = array<i32>} : memref<128xf32, #tpu.memory_space<vmem>>, vector<16xf32>,
    %swap3A_43 = vector.shape_cast %swap3A_42 : vector<16xf32> to vector<16xf32>
    %swap3A_44 = vector.shape_cast %broadcast_in_dim3A_40 : vector<16xf32> to vector<16xf32>
    tpu.vector_store %arg8[%swap3A_41], %swap3A_44 {strides = array<i32>} : memref<128xf32, #tpu.memory_space<vmem>>, vector<16xf32>,
    %broadcast_in_dim3A_45 = arith.constant 1.000000e+00 : f32
    %broadcast_in_dim3A_46 = vector.broadcast %broadcast_in_dim3A_45 : f32 to vector<16xf32>
    %swap3A_47 = arith.constant 48 : index
    %swap3A_48 = tpu.vector_load %arg8[%swap3A_47] {strides = array<i32>} : memref<128xf32, #tpu.memory_space<vmem>>, vector<16xf32>,
    %swap3A_49 = vector.shape_cast %swap3A_48 : vector<16xf32> to vector<16xf32>
    %swap3A_50 = vector.shape_cast %broadcast_in_dim3A_46 : vector<16xf32> to vector<16xf32>
    tpu.vector_store %arg8[%swap3A_47], %swap3A_50 {strides = array<i32>} : memref<128xf32, #tpu.memory_space<vmem>>, vector<16xf32>,
    %broadcast_in_dim3A_51 = arith.constant 1.000000e+00 : f32
    %broadcast_in_dim3A_52 = vector.broadcast %broadcast_in_dim3A_51 : f32 to vector<16xf32>
    %swap3A_53 = arith.constant 64 : index
    %swap3A_54 = tpu.vector_load %arg8[%swap3A_53] {strides = array<i32>} : memref<128xf32, #tpu.memory_space<vmem>>, vector<16xf32>,
    %swap3A_55 = vector.shape_cast %swap3A_54 : vector<16xf32> to vector<16xf32>
    %swap3A_56 = vector.shape_cast %broadcast_in_dim3A_52 : vector<16xf32> to vector<16xf32>
    tpu.vector_store %arg8[%swap3A_53], %swap3A_56 {strides = array<i32>} : memref<128xf32, #tpu.memory_space<vmem>>, vector<16xf32>,
    %broadcast_in_dim3A_57 = arith.constant 1.000000e+00 : f32
    %broadcast_in_dim3A_58 = vector.broadcast %broadcast_in_dim3A_57 : f32 to vector<16xf32>
    %swap3A_59 = arith.constant 80 : index
    %swap3A_60 = tpu.vector_load %arg8[%swap3A_59] {strides = array<i32>} : memref<128xf32, #tpu.memory_space<vmem>>, vector<16xf32>,
    %swap3A_61 = vector.shape_cast %swap3A_60 : vector<16xf32> to vector<16xf32>
    %swap3A_62 = vector.shape_cast %broadcast_in_dim3A_58 : vector<16xf32> to vector<16xf32>
    tpu.vector_store %arg8[%swap3A_59], %swap3A_62 {strides = array<i32>} : memref<128xf32, #tpu.memory_space<vmem>>, vector<16xf32>,
    %broadcast_in_dim3A_63 = arith.constant 1.000000e+00 : f32
    %broadcast_in_dim3A_64 = vector.broadcast %broadcast_in_dim3A_63 : f32 to vector<16xf32>
    %swap3A_65 = arith.constant 96 : index
    %swap3A_66 = tpu.vector_load %arg8[%swap3A_65] {strides = array<i32>} : memref<128xf32, #tpu.memory_space<vmem>>, vector<16xf32>,
    %swap3A_67 = vector.shape_cast %swap3A_66 : vector<16xf32> to vector<16xf32>
    %swap3A_68 = vector.shape_cast %broadcast_in_dim3A_64 : vector<16xf32> to vector<16xf32>
    tpu.vector_store %arg8[%swap3A_65], %swap3A_68 {strides = array<i32>} : memref<128xf32, #tpu.memory_space<vmem>>, vector<16xf32>,
    %broadcast_in_dim3A_69 = arith.constant 1.000000e+00 : f32
    %broadcast_in_dim3A_70 = vector.broadcast %broadcast_in_dim3A_69 : f32 to vector<16xf32>
    %swap3A_71 = arith.constant 112 : index
    %swap3A_72 = tpu.vector_load %arg8[%swap3A_71] {strides = array<i32>} : memref<128xf32, #tpu.memory_space<vmem>>, vector<16xf32>,
    %swap3A_73 = vector.shape_cast %swap3A_72 : vector<16xf32> to vector<16xf32>
    %swap3A_74 = vector.shape_cast %broadcast_in_dim3A_70 : vector<16xf32> to vector<16xf32>
    tpu.vector_store %arg8[%swap3A_71], %swap3A_74 {strides = array<i32>} : memref<128xf32, #tpu.memory_space<vmem>>, vector<16xf32>,
    %barrier3A = arith.constant 0 : index
    tpu.barrier barrier_id(%barrier3A)
    %run_scoped3A = arith.constant 0 : i32
    "tpu.region"() ({
      %run_scoped3A_100 = tpu.sem_alloc : memref<!tpu.dma_semaphore, #tpu.memory_space<semaphore_mem>>
      %dma_start3A_101 = arith.constant 0 : i32
      %dma_start3A_102 = tpu.memref_slice %arg6[%run_scoped3A, %dma_start3A_101] : memref<2x128xi32, #tpu.memory_space<vmem>> -> memref<1x128xi32, #tpu.memory_space<vmem>>
      %dma_start3A_103 = tpu.memref_squeeze %dma_start3A_102 : memref<1x128xi32, #tpu.memory_space<vmem>> -> memref<128xi32, #tpu.memory_space<vmem>>
      %dma_start3A_104 = arith.constant 0 : i32
      %dma_start3A_105 = tpu.memref_slice %arg10[%dma_start3A_104] : memref<8192xf32, #tpu.memory_space<vmem_shared>> -> memref<8192xf32, #tpu.memory_space<vmem_shared>>
      tpu.enqueue_indirect_dma source(%arg8 : memref<128xf32, #tpu.memory_space<vmem>>) target(%dma_start3A_105 : memref<8192xf32, #tpu.memory_space<vmem_shared>>) offsets(%dma_start3A_103 : memref<128xi32, #tpu.memory_space<vmem>>) semaphore(%run_scoped3A_100 : memref<!tpu.dma_semaphore, #tpu.memory_space<semaphore_mem>>) {add = true}
      %dma_wait3A_106 = arith.constant 0 : i32
      %dma_wait3A_107 = tpu.memref_slice %arg6[%run_scoped3A, %dma_wait3A_106] : memref<2x128xi32, #tpu.memory_space<vmem>> -> memref<1x128xi32, #tpu.memory_space<vmem>>
      %dma_wait3A_108 = tpu.memref_squeeze %dma_wait3A_107 : memref<1x128xi32, #tpu.memory_space<vmem>> -> memref<128xi32, #tpu.memory_space<vmem>>
      %dma_wait3A_109 = arith.constant 0 : i32
      %dma_wait3A_110 = tpu.memref_slice %arg10[%dma_wait3A_109] : memref<8192xf32, #tpu.memory_space<vmem_shared>> -> memref<8192xf32, #tpu.memory_space<vmem_shared>>
      tpu.wait_indirect_dma semaphore(%run_scoped3A_100 : memref<!tpu.dma_semaphore, #tpu.memory_space<semaphore_mem>>) src(%arg8 : memref<128xf32, #tpu.memory_space<vmem>>) dst(%dma_wait3A_110 : memref<8192xf32, #tpu.memory_space<vmem_shared>>)
      tpu.yield
    }) : () -> ()
    %run_scoped3A_75 = arith.constant 1 : i32
    "tpu.region"() ({
      %run_scoped3A_100 = tpu.sem_alloc : memref<!tpu.dma_semaphore, #tpu.memory_space<semaphore_mem>>
      %dma_start3A_101 = arith.constant 0 : i32
      %dma_start3A_102 = tpu.memref_slice %arg6[%run_scoped3A_75, %dma_start3A_101] : memref<2x128xi32, #tpu.memory_space<vmem>> -> memref<1x128xi32, #tpu.memory_space<vmem>>
      %dma_start3A_103 = tpu.memref_squeeze %dma_start3A_102 : memref<1x128xi32, #tpu.memory_space<vmem>> -> memref<128xi32, #tpu.memory_space<vmem>>
      %dma_start3A_104 = arith.constant 0 : i32
      %dma_start3A_105 = tpu.memref_slice %arg10[%dma_start3A_104] : memref<8192xf32, #tpu.memory_space<vmem_shared>> -> memref<8192xf32, #tpu.memory_space<vmem_shared>>
      tpu.enqueue_indirect_dma source(%arg8 : memref<128xf32, #tpu.memory_space<vmem>>) target(%dma_start3A_105 : memref<8192xf32, #tpu.memory_space<vmem_shared>>) offsets(%dma_start3A_103 : memref<128xi32, #tpu.memory_space<vmem>>) semaphore(%run_scoped3A_100 : memref<!tpu.dma_semaphore, #tpu.memory_space<semaphore_mem>>) {add = true}
      %dma_wait3A_106 = arith.constant 0 : i32
      %dma_wait3A_107 = tpu.memref_slice %arg6[%run_scoped3A_75, %dma_wait3A_106] : memref<2x128xi32, #tpu.memory_space<vmem>> -> memref<1x128xi32, #tpu.memory_space<vmem>>
      %dma_wait3A_108 = tpu.memref_squeeze %dma_wait3A_107 : memref<1x128xi32, #tpu.memory_space<vmem>> -> memref<128xi32, #tpu.memory_space<vmem>>
      %dma_wait3A_109 = arith.constant 0 : i32
      %dma_wait3A_110 = tpu.memref_slice %arg10[%dma_wait3A_109] : memref<8192xf32, #tpu.memory_space<vmem_shared>> -> memref<8192xf32, #tpu.memory_space<vmem_shared>>
      tpu.wait_indirect_dma semaphore(%run_scoped3A_100 : memref<!tpu.dma_semaphore, #tpu.memory_space<semaphore_mem>>) src(%arg8 : memref<128xf32, #tpu.memory_space<vmem>>) dst(%dma_wait3A_110 : memref<8192xf32, #tpu.memory_space<vmem_shared>>)
      tpu.yield
    }) : () -> ()
    %barrier3A_76 = arith.constant 0 : index
    tpu.barrier barrier_id(%barrier3A_76)
    %eq3A = arith.constant 0 : i32
    %eq3A_77 = arith.cmpi eq, %arg1, %eq3A : i32
    %convert_element_type3A = arith.extui %eq3A_77 : i1 to i32
    %cond3A = arith.constant 0 : i32
    %cond3A_78 = arith.cmpi ne, %convert_element_type3A, %cond3A : i32
    scf.if %cond3A_78 {
      "tpu.region"() ({
        %run_scoped3A_100 = tpu.sem_alloc : memref<!tpu.dma_semaphore, #tpu.memory_space<semaphore_mem>>
        %dma_start3A_101 = arith.constant 0 : i32
        %dma_start3A_102 = tpu.memref_slice %arg5[%arg0, %dma_start3A_101] : memref<2x8192xf32, #tpu.memory_space<hbm>> -> memref<1x8192xf32, #tpu.memory_space<hbm>>
        %dma_start3A_103 = tpu.memref_squeeze %dma_start3A_102 : memref<1x8192xf32, #tpu.memory_space<hbm>> -> memref<8192xf32, #tpu.memory_space<hbm>>
        tpu.enqueue_dma source(%arg10 : memref<8192xf32, #tpu.memory_space<vmem_shared>>) target(%dma_start3A_103 : memref<8192xf32, #tpu.memory_space<hbm>>) target_semaphore(%run_scoped3A_100 : memref<!tpu.dma_semaphore, #tpu.memory_space<semaphore_mem>>)
        %dma_wait3A_104 = arith.constant 0 : i32
        %dma_wait3A_105 = tpu.memref_slice %arg5[%arg0, %dma_wait3A_104] : memref<2x8192xf32, #tpu.memory_space<hbm>> -> memref<1x8192xf32, #tpu.memory_space<hbm>>
        %dma_wait3A_106 = tpu.memref_squeeze %dma_wait3A_105 : memref<1x8192xf32, #tpu.memory_space<hbm>> -> memref<8192xf32, #tpu.memory_space<hbm>>
        tpu.wait_dma2 semaphore(%run_scoped3A_100 : memref<!tpu.dma_semaphore, #tpu.memory_space<semaphore_mem>>) src(%arg10 : memref<8192xf32, #tpu.memory_space<vmem_shared>>) dst(%dma_wait3A_106 : memref<8192xf32, #tpu.memory_space<hbm>>)
        tpu.yield
      }) : () -> ()
    } else {
    }
    %dma_wait3A = arith.constant 0 : i32
    %dma_wait3A_79 = arith.constant 0 : i32
    %dma_wait3A_80 = arith.constant 0 : i32
    %dma_wait3A_81 = tpu.memref_slice %arg7[%dma_wait3A_79, %dma_wait3A_80] : memref<256x256xf32, #tpu.memory_space<vmem>> -> memref<128x256xf32, #tpu.memory_space<vmem>>
    %dma_wait3A_82 = arith.constant 0 : i32
    %dma_wait3A_83 = tpu.memref_slice %arg6[%dma_wait3A, %dma_wait3A_82] : memref<2x128xi32, #tpu.memory_space<vmem>> -> memref<1x128xi32, #tpu.memory_space<vmem>>
    %dma_wait3A_84 = tpu.memref_squeeze %dma_wait3A_83 : memref<1x128xi32, #tpu.memory_space<vmem>> -> memref<128xi32, #tpu.memory_space<vmem>>
    %dma_wait3A_85 = arith.constant 0 : i32
    %dma_wait3A_86 = arith.constant 0 : i32
    %dma_wait3A_87 = tpu.memref_slice %arg3[%dma_wait3A_85, %dma_wait3A_86] : memref<8192x256xf32, #tpu.memory_space<hbm>> -> memref<8192x256xf32, #tpu.memory_space<hbm>>
    tpu.wait_indirect_dma semaphore(%arg11 : memref<!tpu.dma_semaphore, #tpu.memory_space<semaphore_mem>>) src(%dma_wait3A_87 : memref<8192x256xf32, #tpu.memory_space<hbm>>) dst(%dma_wait3A_81 : memref<128x256xf32, #tpu.memory_space<vmem>>)
    %dma_wait3A_88 = arith.constant 1 : i32
    %dma_wait3A_89 = arith.constant 128 : i32
    %dma_wait3A_90 = arith.constant 0 : i32
    %dma_wait3A_91 = tpu.memref_slice %arg7[%dma_wait3A_89, %dma_wait3A_90] : memref<256x256xf32, #tpu.memory_space<vmem>> -> memref<128x256xf32, #tpu.memory_space<vmem>>
    %dma_wait3A_92 = arith.constant 0 : i32
    %dma_wait3A_93 = tpu.memref_slice %arg6[%dma_wait3A_88, %dma_wait3A_92] : memref<2x128xi32, #tpu.memory_space<vmem>> -> memref<1x128xi32, #tpu.memory_space<vmem>>
    %dma_wait3A_94 = tpu.memref_squeeze %dma_wait3A_93 : memref<1x128xi32, #tpu.memory_space<vmem>> -> memref<128xi32, #tpu.memory_space<vmem>>
    %dma_wait3A_95 = arith.constant 0 : i32
    %dma_wait3A_96 = arith.constant 0 : i32
    %dma_wait3A_97 = tpu.memref_slice %arg3[%dma_wait3A_95, %dma_wait3A_96] : memref<8192x256xf32, #tpu.memory_space<hbm>> -> memref<8192x256xf32, #tpu.memory_space<hbm>>
    tpu.wait_indirect_dma semaphore(%arg11 : memref<!tpu.dma_semaphore, #tpu.memory_space<semaphore_mem>>) src(%dma_wait3A_97 : memref<8192x256xf32, #tpu.memory_space<hbm>>) dst(%dma_wait3A_91 : memref<128x256xf32, #tpu.memory_space<vmem>>)
    %mul3A_98 = arith.constant 256 : i32
    %mul3A_99 = arith.muli %add3A, %mul3A_98 : i32
    "tpu.region"() ({
      %run_scoped3A_100 = tpu.sem_alloc : memref<!tpu.dma_semaphore, #tpu.memory_space<semaphore_mem>>
      %dma_start3A_101 = arith.constant 0 : i32
      %dma_start3A_102 = tpu.memref_slice %arg4[%mul3A_99, %dma_start3A_101] : memref<8192x256xf32, #tpu.memory_space<hbm>> -> memref<256x256xf32, #tpu.memory_space<hbm>>
      %dma_start3A_103 = arith.constant 0 : i32
      %dma_start3A_104 = tpu.memref_slice %arg4[%mul3A_99, %dma_start3A_103] : memref<8192x256xf32, #tpu.memory_space<hbm>> -> memref<256x256xf32, #tpu.memory_space<hbm>>
      tpu.enqueue_dma source(%arg7 : memref<256x256xf32, #tpu.memory_space<vmem>>) target(%dma_start3A_104 : memref<256x256xf32, #tpu.memory_space<hbm>>) target_semaphore(%run_scoped3A_100 : memref<!tpu.dma_semaphore, #tpu.memory_space<semaphore_mem>>)
      %dma_wait3A_105 = arith.constant 0 : i32
      %dma_wait3A_106 = tpu.memref_slice %arg4[%mul3A_99, %dma_wait3A_105] : memref<8192x256xf32, #tpu.memory_space<hbm>> -> memref<256x256xf32, #tpu.memory_space<hbm>>
      %dma_wait3A_107 = arith.constant 0 : i32
      %dma_wait3A_108 = tpu.memref_slice %arg4[%mul3A_99, %dma_wait3A_107] : memref<8192x256xf32, #tpu.memory_space<hbm>> -> memref<256x256xf32, #tpu.memory_space<hbm>>
      tpu.wait_dma2 semaphore(%run_scoped3A_100 : memref<!tpu.dma_semaphore, #tpu.memory_space<semaphore_mem>>) src(%arg7 : memref<256x256xf32, #tpu.memory_space<vmem>>) dst(%dma_wait3A_108 : memref<256x256xf32, #tpu.memory_space<hbm>>)
      tpu.yield
    }) : () -> ()
    return
  }
}

module attributes {stable_mosaic.version = 14 : i64} {
  func.func @_assign_body(%arg0: i32, %arg1: i32, %arg2: memref<1x256x1024xf32, #tpu.memory_space<vmem>>, %arg3: memref<2048x256xf32, #tpu.memory_space<vmem>>, %arg4: memref<8x1024xi32, #tpu.memory_space<vmem>>, %arg5: memref<8x1024xf32, #tpu.memory_space<vmem>>) attributes {dimension_semantics = [#tpu.dimension_semantics<arbitrary>, #tpu.dimension_semantics<arbitrary>], iteration_bounds = array<i64: 4, 8>, scalar_prefetch = 0 : i64, scratch_operands = 1 : i64, tpu.core_type = #tpu.core_type<tc>, window_params = [{transform_indices = @transform_0, window_bounds = array<i64: 1, 256, 1024>}, {transform_indices = @transform_1, window_bounds = array<i64: 2048, 256>}, {pipeline_mode = #tpu.pipeline_mode<synchronous>, transform_indices = @transform_2, window_bounds = array<i64: 8, 1024>}]} {
    %get3A = arith.constant 0 : index
    %get3A_0 = arith.constant 0 : index
    %get3A_1 = arith.constant 0 : index
    %get3A_2 = vector.load %arg2[%get3A, %get3A_0, %get3A_1] : memref<1x256x1024xf32, #tpu.memory_space<vmem>>, vector<1x256x1024xf32>
    %get3A_3 = vector.shape_cast %get3A_2 : vector<1x256x1024xf32> to vector<256x1024xf32>
    %get3A_4 = arith.constant 0 : index
    %get3A_5 = arith.constant 0 : index
    %get3A_6 = vector.load %arg3[%get3A_4, %get3A_5] : memref<2048x256xf32, #tpu.memory_space<vmem>>, vector<2048x256xf32>
    %convert_element_type3A = arith.truncf %get3A_6 : vector<2048x256xf32> to vector<2048x256xbf16>
    %mul3A = arith.constant 2.000000e+00 : bf16
    %mul3A_7 = vector.broadcast %mul3A : bf16 to vector<2048x256xbf16>
    %mul3A_8 = arith.mulf %convert_element_type3A, %mul3A_7 : vector<2048x256xbf16>
    %convert_element_type3A_9 = arith.truncf %get3A_3 : vector<256x1024xf32> to vector<256x1024xbf16>
    %dot_general3A = arith.constant dense<0.000000e+00> : vector<2048x1024xf32>
    %dot_general3A_10 = tpu.matmul %mul3A_8, %convert_element_type3A_9, %dot_general3A {dimension_numbers = #tpu.dot_dimension_numbers<[1], [0], [0], [1], [0, 0, 1, 1], [], []>, transpose_lhs_hint = false} : vector<2048x256xbf16>, vector<256x1024xbf16>, vector<2048x1024xf32> -> vector<2048x1024xf32>
    %mul3A_11 = arith.mulf %get3A_6, %get3A_6 : vector<2048x256xf32>
    %reduce_sum3A = arith.constant dense<0.000000e+00> : vector<2048xf32>
    %reduce_sum3A_12 = vector.multi_reduction <add>, %mul3A_11, %reduce_sum3A [1] : vector<2048x256xf32> to vector<2048xf32>
    %broadcast_in_dim3A = vector.shape_cast %reduce_sum3A_12 : vector<2048xf32> to vector<2048x1xf32>
    %mul3A_13 = arith.mulf %get3A_3, %get3A_3 : vector<256x1024xf32>
    %reduce_sum3A_14 = arith.constant dense<0.000000e+00> : vector<1024xf32>
    %reduce_sum3A_15 = vector.multi_reduction <add>, %mul3A_13, %reduce_sum3A_14 [0] : vector<256x1024xf32> to vector<1024xf32>
    %broadcast_in_dim3A_16 = vector.shape_cast %reduce_sum3A_15 : vector<1024xf32> to vector<1x1024xf32>
    %add3A = vector.broadcast %broadcast_in_dim3A : vector<2048x1xf32> to vector<2048x1024xf32>
    %add3A_17 = vector.broadcast %broadcast_in_dim3A_16 : vector<1x1024xf32> to vector<2048x1024xf32>
    %add3A_18 = arith.addf %add3A, %add3A_17 : vector<2048x1024xf32>
    %sub3A = arith.subf %add3A_18, %dot_general3A_10 : vector<2048x1024xf32>
    %reduce_min3A = arith.constant dense<0x7F800000> : vector<1024xf32>
    %reduce_min3A_19 = vector.multi_reduction <minimumf>, %sub3A, %reduce_min3A [0] : vector<2048x1024xf32> to vector<1024xf32>
    %broadcast_in_dim3A_20 = vector.shape_cast %reduce_min3A_19 : vector<1024xf32> to vector<1x1024xf32>
    %max3A = arith.constant 0.000000e+00 : f32
    %max3A_21 = vector.broadcast %max3A : f32 to vector<1x1024xf32>
    %max3A_22 = arith.maximumf %broadcast_in_dim3A_20, %max3A_21 : vector<1x1024xf32>
    %sqrt3A = math.sqrt %max3A_22 : vector<1x1024xf32>
    %bitcast_convert_type3A = tpu.bitcast %sqrt3A : vector<1x1024xf32> -> vector<1x1024xi32>
    %add3A_23 = arith.constant 1 : i32
    %add3A_24 = vector.broadcast %add3A_23 : i32 to vector<1x1024xi32>
    %add3A_25 = arith.addi %bitcast_convert_type3A, %add3A_24 : vector<1x1024xi32>
    %bitcast_convert_type3A_26 = tpu.bitcast %add3A_25 : vector<1x1024xi32> -> vector<1x1024xf32>
    %mul3A_27 = arith.mulf %bitcast_convert_type3A_26, %bitcast_convert_type3A_26 : vector<1x1024xf32>
    %bitcast_convert_type3A_28 = tpu.bitcast %mul3A_27 : vector<1x1024xf32> -> vector<1x1024xi32>
    %sub3A_29 = arith.constant 1 : i32
    %sub3A_30 = vector.broadcast %sub3A_29 : i32 to vector<1x1024xi32>
    %sub3A_31 = arith.subi %bitcast_convert_type3A_28, %sub3A_30 : vector<1x1024xi32>
    %bitcast_convert_type3A_32 = tpu.bitcast %sub3A_31 : vector<1x1024xi32> -> vector<1x1024xf32>
    %sqrt3A_33 = math.sqrt %mul3A_27 : vector<1x1024xf32>
    %ge3A = arith.cmpf oge, %sqrt3A_33, %bitcast_convert_type3A_26 : vector<1x1024xf32>
    %select_n3A = arith.select %ge3A, %bitcast_convert_type3A_32, %mul3A_27 : vector<1x1024xi1>, vector<1x1024xf32>
    %bitcast_convert_type3A_34 = tpu.bitcast %select_n3A : vector<1x1024xf32> -> vector<1x1024xi32>
    %sub3A_35 = arith.constant 1 : i32
    %sub3A_36 = vector.broadcast %sub3A_35 : i32 to vector<1x1024xi32>
    %sub3A_37 = arith.subi %bitcast_convert_type3A_34, %sub3A_36 : vector<1x1024xi32>
    %bitcast_convert_type3A_38 = tpu.bitcast %sub3A_37 : vector<1x1024xi32> -> vector<1x1024xf32>
    %sqrt3A_39 = math.sqrt %select_n3A : vector<1x1024xf32>
    %ge3A_40 = arith.cmpf oge, %sqrt3A_39, %bitcast_convert_type3A_26 : vector<1x1024xf32>
    %select_n3A_41 = arith.select %ge3A_40, %bitcast_convert_type3A_38, %select_n3A : vector<1x1024xi1>, vector<1x1024xf32>
    %bitcast_convert_type3A_42 = tpu.bitcast %select_n3A_41 : vector<1x1024xf32> -> vector<1x1024xi32>
    %sub3A_43 = arith.constant 1 : i32
    %sub3A_44 = vector.broadcast %sub3A_43 : i32 to vector<1x1024xi32>
    %sub3A_45 = arith.subi %bitcast_convert_type3A_42, %sub3A_44 : vector<1x1024xi32>
    %bitcast_convert_type3A_46 = tpu.bitcast %sub3A_45 : vector<1x1024xi32> -> vector<1x1024xf32>
    %sqrt3A_47 = math.sqrt %select_n3A_41 : vector<1x1024xf32>
    %ge3A_48 = arith.cmpf oge, %sqrt3A_47, %bitcast_convert_type3A_26 : vector<1x1024xf32>
    %select_n3A_49 = arith.select %ge3A_48, %bitcast_convert_type3A_46, %select_n3A_41 : vector<1x1024xi1>, vector<1x1024xf32>
    %bitcast_convert_type3A_50 = tpu.bitcast %select_n3A_49 : vector<1x1024xf32> -> vector<1x1024xi32>
    %sub3A_51 = arith.constant 1 : i32
    %sub3A_52 = vector.broadcast %sub3A_51 : i32 to vector<1x1024xi32>
    %sub3A_53 = arith.subi %bitcast_convert_type3A_50, %sub3A_52 : vector<1x1024xi32>
    %bitcast_convert_type3A_54 = tpu.bitcast %sub3A_53 : vector<1x1024xi32> -> vector<1x1024xf32>
    %sqrt3A_55 = math.sqrt %select_n3A_49 : vector<1x1024xf32>
    %ge3A_56 = arith.cmpf oge, %sqrt3A_55, %bitcast_convert_type3A_26 : vector<1x1024xf32>
    %select_n3A_57 = arith.select %ge3A_56, %bitcast_convert_type3A_54, %select_n3A_49 : vector<1x1024xi1>, vector<1x1024xf32>
    %bitcast_convert_type3A_58 = tpu.bitcast %select_n3A_57 : vector<1x1024xf32> -> vector<1x1024xi32>
    %add3A_59 = arith.constant 1 : i32
    %add3A_60 = vector.broadcast %add3A_59 : i32 to vector<1x1024xi32>
    %add3A_61 = arith.addi %bitcast_convert_type3A_58, %add3A_60 : vector<1x1024xi32>
    %bitcast_convert_type3A_62 = tpu.bitcast %add3A_61 : vector<1x1024xi32> -> vector<1x1024xf32>
    %sqrt3A_63 = math.sqrt %bitcast_convert_type3A_62 : vector<1x1024xf32>
    %lt3A = arith.cmpf olt, %sqrt3A_63, %bitcast_convert_type3A_26 : vector<1x1024xf32>
    %select_n3A_64 = arith.select %lt3A, %bitcast_convert_type3A_62, %select_n3A_57 : vector<1x1024xi1>, vector<1x1024xf32>
    %bitcast_convert_type3A_65 = tpu.bitcast %select_n3A_64 : vector<1x1024xf32> -> vector<1x1024xi32>
    %add3A_66 = arith.constant 1 : i32
    %add3A_67 = vector.broadcast %add3A_66 : i32 to vector<1x1024xi32>
    %add3A_68 = arith.addi %bitcast_convert_type3A_65, %add3A_67 : vector<1x1024xi32>
    %bitcast_convert_type3A_69 = tpu.bitcast %add3A_68 : vector<1x1024xi32> -> vector<1x1024xf32>
    %sqrt3A_70 = math.sqrt %bitcast_convert_type3A_69 : vector<1x1024xf32>
    %lt3A_71 = arith.cmpf olt, %sqrt3A_70, %bitcast_convert_type3A_26 : vector<1x1024xf32>
    %select_n3A_72 = arith.select %lt3A_71, %bitcast_convert_type3A_69, %select_n3A_64 : vector<1x1024xi1>, vector<1x1024xf32>
    %bitcast_convert_type3A_73 = tpu.bitcast %select_n3A_72 : vector<1x1024xf32> -> vector<1x1024xi32>
    %add3A_74 = arith.constant 1 : i32
    %add3A_75 = vector.broadcast %add3A_74 : i32 to vector<1x1024xi32>
    %add3A_76 = arith.addi %bitcast_convert_type3A_73, %add3A_75 : vector<1x1024xi32>
    %bitcast_convert_type3A_77 = tpu.bitcast %add3A_76 : vector<1x1024xi32> -> vector<1x1024xf32>
    %sqrt3A_78 = math.sqrt %bitcast_convert_type3A_77 : vector<1x1024xf32>
    %lt3A_79 = arith.cmpf olt, %sqrt3A_78, %bitcast_convert_type3A_26 : vector<1x1024xf32>
    %select_n3A_80 = arith.select %lt3A_79, %bitcast_convert_type3A_77, %select_n3A_72 : vector<1x1024xi1>, vector<1x1024xf32>
    %bitcast_convert_type3A_81 = tpu.bitcast %select_n3A_80 : vector<1x1024xf32> -> vector<1x1024xi32>
    %add3A_82 = arith.constant 1 : i32
    %add3A_83 = vector.broadcast %add3A_82 : i32 to vector<1x1024xi32>
    %add3A_84 = arith.addi %bitcast_convert_type3A_81, %add3A_83 : vector<1x1024xi32>
    %bitcast_convert_type3A_85 = tpu.bitcast %add3A_84 : vector<1x1024xi32> -> vector<1x1024xf32>
    %sqrt3A_86 = math.sqrt %bitcast_convert_type3A_85 : vector<1x1024xf32>
    %lt3A_87 = arith.cmpf olt, %sqrt3A_86, %bitcast_convert_type3A_26 : vector<1x1024xf32>
    %select_n3A_88 = arith.select %lt3A_87, %bitcast_convert_type3A_85, %select_n3A_80 : vector<1x1024xi1>, vector<1x1024xf32>
    %eq3A = arith.constant 0.000000e+00 : f32
    %eq3A_89 = vector.broadcast %eq3A : f32 to vector<1x1024xf32>
    %eq3A_90 = arith.cmpf oeq, %max3A_22, %eq3A_89 : vector<1x1024xf32>
    %max3A_91 = arith.maximumf %select_n3A_88, %broadcast_in_dim3A_20 : vector<1x1024xf32>
    %jit3A = arith.constant 0.000000e+00 : f32
    %broadcast_in_dim3A_92 = vector.broadcast %jit3A : f32 to vector<1x1024xf32>
    %select_n3A_93 = arith.select %eq3A_90, %broadcast_in_dim3A_92, %max3A_91 : vector<1x1024xi1>, vector<1x1024xf32>
    %iota3A = tpu.iota {dimensions = array<i32: 0>} : vector<2048x1024xi32>
    %convert_element_type3A_94 = arith.sitofp %iota3A : vector<2048x1024xi32> to vector<2048x1024xf32>
    %le3A = vector.broadcast %select_n3A_93 : vector<1x1024xf32> to vector<2048x1024xf32>
    %le3A_95 = arith.cmpf ole, %sub3A, %le3A : vector<2048x1024xf32>
    %jit3A_96 = arith.constant 8.192000e+03 : f32
    %broadcast_in_dim3A_97 = vector.broadcast %jit3A_96 : f32 to vector<2048x1024xf32>
    %select_n3A_98 = arith.select %le3A_95, %convert_element_type3A_94, %broadcast_in_dim3A_97 : vector<2048x1024xi1>, vector<2048x1024xf32>
    %reduce_min3A_99 = arith.constant dense<0x7F800000> : vector<1024xf32>
    %reduce_min3A_100 = vector.multi_reduction <minimumf>, %select_n3A_98, %reduce_min3A_99 [0] : vector<2048x1024xf32> to vector<1024xf32>
    %broadcast_in_dim3A_101 = vector.shape_cast %reduce_min3A_100 : vector<1024xf32> to vector<1x1024xf32>
    %convert_element_type3A_102 = arith.fptosi %broadcast_in_dim3A_101 : vector<1x1024xf32> to vector<1x1024xi32>
    %mul3A_103 = arith.constant 2048 : i32
    %mul3A_104 = arith.muli %arg0, %mul3A_103 : i32
    %add3A_105 = vector.broadcast %mul3A_104 : i32 to vector<1x1024xi32>
    %add3A_106 = arith.addi %convert_element_type3A_102, %add3A_105 : vector<1x1024xi32>
    %eq3A_107 = arith.constant 0 : i32
    %eq3A_108 = arith.cmpi eq, %arg0, %eq3A_107 : i32
    %convert_element_type3A_109 = arith.extui %eq3A_108 : i1 to i32
    %cond3A = arith.constant 0 : i32
    %cond3A_110 = arith.cmpi ne, %convert_element_type3A_109, %cond3A : i32
    scf.if %cond3A_110 {
      %swap3A = arith.index_cast %arg1 : i32 to index
      %swap3A_115 = arith.constant 0 : index
      %swap3A_116 = vector.load %arg5[%swap3A, %swap3A_115] : memref<8x1024xf32, #tpu.memory_space<vmem>>, vector<1x1024xf32>
      tpu.vector_store %arg5[%swap3A, %swap3A_115], %sqrt3A {strides = array<i32>} : memref<8x1024xf32, #tpu.memory_space<vmem>>, vector<1x1024xf32>,
      %swap3A_117 = arith.index_cast %arg1 : i32 to index
      %swap3A_118 = arith.constant 0 : index
      %swap3A_119 = vector.load %arg4[%swap3A_117, %swap3A_118] : memref<8x1024xi32, #tpu.memory_space<vmem>>, vector<1x1024xi32>
      tpu.vector_store %arg4[%swap3A_117, %swap3A_118], %add3A_106 {strides = array<i32>} : memref<8x1024xi32, #tpu.memory_space<vmem>>, vector<1x1024xi32>,
    } else {
    }
    %gt3A = arith.constant 0 : i32
    %gt3A_111 = arith.cmpi sgt, %arg0, %gt3A : i32
    %convert_element_type3A_112 = arith.extui %gt3A_111 : i1 to i32
    %cond3A_113 = arith.constant 0 : i32
    %cond3A_114 = arith.cmpi ne, %convert_element_type3A_112, %cond3A_113 : i32
    scf.if %cond3A_114 {
      %get3A_115 = arith.index_cast %arg1 : i32 to index
      %get3A_116 = arith.constant 0 : index
      %get3A_117 = vector.load %arg5[%get3A_115, %get3A_116] : memref<8x1024xf32, #tpu.memory_space<vmem>>, vector<1x1024xf32>
      %get3A_118 = arith.index_cast %arg1 : i32 to index
      %get3A_119 = arith.constant 0 : index
      %get3A_120 = vector.load %arg4[%get3A_118, %get3A_119] : memref<8x1024xi32, #tpu.memory_space<vmem>>, vector<1x1024xi32>
      %lt3A_121 = arith.cmpf olt, %sqrt3A, %get3A_117 : vector<1x1024xf32>
      %select_n3A_122 = arith.select %lt3A_121, %sqrt3A, %get3A_117 : vector<1x1024xi1>, vector<1x1024xf32>
      %swap3A = arith.index_cast %arg1 : i32 to index
      %swap3A_123 = arith.constant 0 : index
      %swap3A_124 = vector.load %arg5[%swap3A, %swap3A_123] : memref<8x1024xf32, #tpu.memory_space<vmem>>, vector<1x1024xf32>
      tpu.vector_store %arg5[%swap3A, %swap3A_123], %select_n3A_122 {strides = array<i32>} : memref<8x1024xf32, #tpu.memory_space<vmem>>, vector<1x1024xf32>,
      %select_n3A_125 = arith.select %lt3A_121, %add3A_106, %get3A_120 : vector<1x1024xi1>, vector<1x1024xi32>
      %swap3A_126 = arith.index_cast %arg1 : i32 to index
      %swap3A_127 = arith.constant 0 : index
      %swap3A_128 = vector.load %arg4[%swap3A_126, %swap3A_127] : memref<8x1024xi32, #tpu.memory_space<vmem>>, vector<1x1024xi32>
      tpu.vector_store %arg4[%swap3A_126, %swap3A_127], %select_n3A_125 {strides = array<i32>} : memref<8x1024xi32, #tpu.memory_space<vmem>>, vector<1x1024xi32>,
    } else {
    }
    return
  }
  func.func @transform_0(%arg0: i32, %arg1: i32) -> (i32, i32, i32) {
    %c0_i32 = arith.constant 0 : i32
    %c0_i32_0 = arith.constant 0 : i32
    %c0_i32_1 = arith.constant 0 : i32
    return %arg1, %c0_i32, %c0_i32_0 : i32, i32, i32
  }
  func.func @transform_1(%arg0: i32, %arg1: i32) -> (i32, i32) {
    %c0_i32 = arith.constant 0 : i32
    %c0_i32_0 = arith.constant 0 : i32
    return %arg0, %c0_i32 : i32, i32
  }
  func.func @transform_2(%arg0: i32, %arg1: i32) -> (i32, i32) {
    %c0_i32 = arith.constant 0 : i32
    %c0_i32_0 = arith.constant 0 : i32
    %c0_i32_1 = arith.constant 0 : i32
    return %c0_i32, %c0_i32_0 : i32, i32
  }
}

module attributes {stable_mosaic.version = 14 : i64} {
  func.func @_finish_body(%arg0: i32, %arg1: memref<1x256x1024xf32, #tpu.memory_space<vmem>>, %arg2: memref<1024x256xf32, #tpu.memory_space<vmem>>, %arg3: memref<2x64x128xf32, #tpu.memory_space<vmem>>, %arg4: memref<1x256x1024xf32, #tpu.memory_space<vmem>>, %arg5: memref<1x1xf32, #tpu.memory_space<smem>>, %arg6: memref<1x1xf32, #tpu.memory_space<smem>>) attributes {dimension_semantics = [#tpu.dimension_semantics<arbitrary>], iteration_bounds = array<i64: 8>, scalar_prefetch = 0 : i64, scratch_operands = 0 : i64, tpu.core_type = #tpu.core_type<tc>, window_params = [{transform_indices = @transform_0, window_bounds = array<i64: 1, 256, 1024>}, {transform_indices = @transform_1, window_bounds = array<i64: 1024, 256>}, {pipeline_mode = #tpu.pipeline_mode<synchronous>, transform_indices = @transform_2, window_bounds = array<i64: 2, 64, 128>}, {transform_indices = @transform_3, window_bounds = array<i64: 1, 256, 1024>}, {transform_indices = @transform_4, window_bounds = array<i64: 1, 1>}, {transform_indices = @transform_5, window_bounds = array<i64: 1, 1>}]} {
    %get3A = arith.constant 0 : index
    %get3A_0 = arith.constant 0 : index
    %get3A_1 = arith.constant 0 : index
    %get3A_2 = vector.load %arg1[%get3A, %get3A_0, %get3A_1] : memref<1x256x1024xf32, #tpu.memory_space<vmem>>, vector<1x256x1024xf32>
    %get3A_3 = vector.shape_cast %get3A_2 : vector<1x256x1024xf32> to vector<256x1024xf32>
    %get3A_4 = arith.constant 0 : index
    %get3A_5 = arith.constant 0 : index
    %get3A_6 = vector.load %arg2[%get3A_4, %get3A_5] : memref<1024x256xf32, #tpu.memory_space<vmem>>, vector<1024x256xf32>
    %transpose3A = tpu.transpose %get3A_6, [1, 0] : vector<1024x256xf32> -> vector<256x1024xf32>
    %sub3A = arith.subf %transpose3A, %get3A_3 : vector<256x1024xf32>
    %add3A = arith.addf %get3A_3, %sub3A : vector<256x1024xf32>
    %swap3A = arith.constant 0 : index
    %swap3A_7 = arith.constant 0 : index
    %swap3A_8 = arith.constant 0 : index
    %swap3A_9 = vector.load %arg4[%swap3A, %swap3A_7, %swap3A_8] : memref<1x256x1024xf32, #tpu.memory_space<vmem>>, vector<1x256x1024xf32>
    %swap3A_10 = vector.shape_cast %swap3A_9 : vector<1x256x1024xf32> to vector<256x1024xf32>
    %swap3A_11 = vector.shape_cast %add3A : vector<256x1024xf32> to vector<1x256x1024xf32>
    tpu.vector_store %arg4[%swap3A, %swap3A_7, %swap3A_8], %swap3A_11 {strides = array<i32>} : memref<1x256x1024xf32, #tpu.memory_space<vmem>>, vector<1x256x1024xf32>,
    %sub3A_12 = arith.subf %get3A_3, %transpose3A : vector<256x1024xf32>
    %mul3A = arith.mulf %sub3A_12, %sub3A_12 : vector<256x1024xf32>
    %reduce_sum3A = vector.shape_cast %mul3A : vector<256x1024xf32> to vector<1x256x1024xf32>
    %reduce_sum3A_13 = arith.constant dense<0.000000e+00> : vector<1xf32>
    %reduce_sum3A_14 = vector.multi_reduction <add>, %reduce_sum3A, %reduce_sum3A_13 [1, 2] : vector<1x256x1024xf32> to vector<1xf32>
    %reduce_sum3A_15 = vector.shape_cast %reduce_sum3A_14 : vector<1xf32> to vector<1x1x1xf32>
    %reduce_sum3A_16 = vector.extract %reduce_sum3A_15[0, 0, 0] : f32 from vector<1x1x1xf32>
    %eq3A = arith.constant 0 : i32
    %eq3A_17 = arith.cmpi eq, %arg0, %eq3A : i32
    %convert_element_type3A = arith.extui %eq3A_17 : i1 to i32
    %cond3A = arith.constant 0 : i32
    %cond3A_18 = arith.cmpi ne, %convert_element_type3A, %cond3A : i32
    scf.if %cond3A_18 {
      %swap3A_28 = arith.constant 0 : index
      %swap3A_29 = arith.constant 0 : index
      %swap3A_30 = memref.load %arg5[%swap3A_28, %swap3A_29] : memref<1x1xf32, #tpu.memory_space<smem>>
      memref.store %reduce_sum3A_16, %arg5[%swap3A_28, %swap3A_29] : memref<1x1xf32, #tpu.memory_space<smem>>
      %get3A_31 = arith.constant 0 : index
      %get3A_32 = arith.constant 0 : index
      %get3A_33 = arith.constant 0 : index
      %get3A_34 = vector.load %arg3[%get3A_31, %get3A_32, %get3A_33] : memref<2x64x128xf32, #tpu.memory_space<vmem>>, vector<1x64x128xf32>
      %get3A_35 = vector.shape_cast %get3A_34 : vector<1x64x128xf32> to vector<64x128xf32>
      %get3A_36 = arith.constant 1 : index
      %get3A_37 = arith.constant 0 : index
      %get3A_38 = arith.constant 0 : index
      %get3A_39 = vector.load %arg3[%get3A_36, %get3A_37, %get3A_38] : memref<2x64x128xf32, #tpu.memory_space<vmem>>, vector<1x64x128xf32>
      %get3A_40 = vector.shape_cast %get3A_39 : vector<1x64x128xf32> to vector<64x128xf32>
      %add3A_41 = arith.addf %get3A_35, %get3A_40 : vector<64x128xf32>
      %mul3A_42 = arith.constant 1.22070313E-4 : f32
      %mul3A_43 = vector.broadcast %mul3A_42 : f32 to vector<64x128xf32>
      %mul3A_44 = arith.mulf %add3A_41, %mul3A_43 : vector<64x128xf32>
      %add3A_45 = arith.constant 1.000000e-10 : f32
      %add3A_46 = vector.broadcast %add3A_45 : f32 to vector<64x128xf32>
      %add3A_47 = arith.addf %mul3A_44, %add3A_46 : vector<64x128xf32>
      %log3A = math.log %add3A_47 : vector<64x128xf32>
      %mul3A_48 = arith.mulf %mul3A_44, %log3A : vector<64x128xf32>
      %reduce_sum3A_49 = vector.shape_cast %mul3A_48 : vector<64x128xf32> to vector<1x64x128xf32>
      %reduce_sum3A_50 = arith.constant dense<0.000000e+00> : vector<1xf32>
      %reduce_sum3A_51 = vector.multi_reduction <add>, %reduce_sum3A_49, %reduce_sum3A_50 [1, 2] : vector<1x64x128xf32> to vector<1xf32>
      %reduce_sum3A_52 = vector.shape_cast %reduce_sum3A_51 : vector<1xf32> to vector<1x1x1xf32>
      %reduce_sum3A_53 = vector.extract %reduce_sum3A_52[0, 0, 0] : f32 from vector<1x1x1xf32>
      %neg3A = arith.constant 0.000000e+00 : f32
      %neg3A_54 = arith.subf %neg3A, %reduce_sum3A_53 : f32
      %exp3A = math.exp %neg3A_54 : f32
      %swap3A_55 = arith.constant 0 : index
      %swap3A_56 = arith.constant 0 : index
      %swap3A_57 = memref.load %arg6[%swap3A_55, %swap3A_56] : memref<1x1xf32, #tpu.memory_space<smem>>
      memref.store %exp3A, %arg6[%swap3A_55, %swap3A_56] : memref<1x1xf32, #tpu.memory_space<smem>>
    } else {
    }
    %gt3A = arith.constant 0 : i32
    %gt3A_19 = arith.cmpi sgt, %arg0, %gt3A : i32
    %convert_element_type3A_20 = arith.extui %gt3A_19 : i1 to i32
    %cond3A_21 = arith.constant 0 : i32
    %cond3A_22 = arith.cmpi ne, %convert_element_type3A_20, %cond3A_21 : i32
    scf.if %cond3A_22 {
      %get3A_28 = arith.constant 0 : index
      %get3A_29 = arith.constant 0 : index
      %get3A_30 = memref.load %arg5[%get3A_28, %get3A_29] : memref<1x1xf32, #tpu.memory_space<smem>>
      %add3A_31 = arith.addf %get3A_30, %reduce_sum3A_16 : f32
      %swap3A_32 = arith.constant 0 : index
      %swap3A_33 = arith.constant 0 : index
      %swap3A_34 = memref.load %arg5[%swap3A_32, %swap3A_33] : memref<1x1xf32, #tpu.memory_space<smem>>
      memref.store %add3A_31, %arg5[%swap3A_32, %swap3A_33] : memref<1x1xf32, #tpu.memory_space<smem>>
    } else {
    }
    %eq3A_23 = arith.constant 7 : i32
    %eq3A_24 = arith.cmpi eq, %arg0, %eq3A_23 : i32
    %convert_element_type3A_25 = arith.extui %eq3A_24 : i1 to i32
    %cond3A_26 = arith.constant 0 : i32
    %cond3A_27 = arith.cmpi ne, %convert_element_type3A_25, %cond3A_26 : i32
    scf.if %cond3A_27 {
      %get3A_28 = arith.constant 0 : index
      %get3A_29 = arith.constant 0 : index
      %get3A_30 = memref.load %arg5[%get3A_28, %get3A_29] : memref<1x1xf32, #tpu.memory_space<smem>>
      %mul3A_31 = arith.constant 1.1920929E-7 : f32
      %mul3A_32 = arith.mulf %get3A_30, %mul3A_31 : f32
      %swap3A_33 = arith.constant 0 : index
      %swap3A_34 = arith.constant 0 : index
      %swap3A_35 = memref.load %arg5[%swap3A_33, %swap3A_34] : memref<1x1xf32, #tpu.memory_space<smem>>
      memref.store %mul3A_32, %arg5[%swap3A_33, %swap3A_34] : memref<1x1xf32, #tpu.memory_space<smem>>
    } else {
    }
    return
  }
  func.func @transform_0(%arg0: i32) -> (i32, i32, i32) {
    %c0_i32 = arith.constant 0 : i32
    %c0_i32_0 = arith.constant 0 : i32
    %c0_i32_1 = arith.constant 0 : i32
    return %arg0, %c0_i32, %c0_i32_0 : i32, i32, i32
  }
  func.func @transform_1(%arg0: i32) -> (i32, i32) {
    %c0_i32 = arith.constant 0 : i32
    %c0_i32_0 = arith.constant 0 : i32
    return %arg0, %c0_i32 : i32, i32
  }
  func.func @transform_2(%arg0: i32) -> (i32, i32, i32) {
    %c0_i32 = arith.constant 0 : i32
    %c0_i32_0 = arith.constant 0 : i32
    %c0_i32_1 = arith.constant 0 : i32
    %c0_i32_2 = arith.constant 0 : i32
    return %c0_i32, %c0_i32_0, %c0_i32_1 : i32, i32, i32
  }
  func.func @transform_3(%arg0: i32) -> (i32, i32, i32) {
    %c0_i32 = arith.constant 0 : i32
    %c0_i32_0 = arith.constant 0 : i32
    %c0_i32_1 = arith.constant 0 : i32
    return %arg0, %c0_i32, %c0_i32_0 : i32, i32, i32
  }
  func.func @transform_4(%arg0: i32) -> (i32, i32) {
    %c0_i32 = arith.constant 0 : i32
    %c0_i32_0 = arith.constant 0 : i32
    %c0_i32_1 = arith.constant 0 : i32
    return %c0_i32, %c0_i32_0 : i32, i32
  }
  func.func @transform_5(%arg0: i32) -> (i32, i32) {
    %c0_i32 = arith.constant 0 : i32
    %c0_i32_0 = arith.constant 0 : i32
    %c0_i32_1 = arith.constant 0 : i32
    return %c0_i32, %c0_i32_0 : i32, i32
  }
}

</mosaic_0001>

<sc_bundles>
// kernel: kernel.5.cloned.1.call-start
scs
__scs_entry_jumppad:
0x0: {  	(pc) =	sbr.rel $0x88, $3  }
0x1: {  	(tag) =	ssettag $0x0;
	lr =	simm.s32 $0x1  }
0x2: {  	[smem:$0x3F9F] =	sst lr;
	_ =	strace $0xD0000000  }
0x3: {  	_ = 	snop  }
0x4: {  	_ = 	snop  }
0x5: {  	_ = 	snop  }
0x6: {  	_ = 	snop  }
0x7: {  	_ = 	snop  }
__scs_overlays_trampoline_lowered:
0x8: {  	[smem:$0x3FAE] =	sst s0  }
0x9: {  	[smem:$0x3FAF] =	sst s1  }
0xa: {  	[smem:$0x3FB0] =	sst s2  }
0xb: {  	[smem:$0x3FB1] =	sst s3  }
0xc: {  	[smem:$0x3FB2] =	sst s4  }
0xd: {  	[smem:$0x3FB3] =	sst s5  }
0xe: {  	[smem:$0x3FB4] =	sst s6  }
0xf: {  	[smem:$0x3FB5] =	sst s7  }
0x10: {  	[smem:$0x3FB6] =	sst s8  }
0x11: {  	[smem:$0x3FB7] =	sst s9;
	s0 =	simm.s32 @!p0 $0x0  }
0x12: {  	s1 =	sld [smem:$0x3F9D];
	s0 =	simm.s32 @p0 $0x1  }
0x13: {  	[smem:$0x3FB8] =	sst s0;
	s0 =	simm.s32 @!p1 $0x0  }
0x14: {  	s2 =	sld [smem:$0x3F9C];
	s0 =	simm.s32 @p1 $0x1  }
0x15: {  	[smem:$0x3FB9] =	sst s0;
	s0 =	simm.s32 @!p2 $0x0  }
0x16: {  	s3 =	sld [smem:$0x3FDB];
	s0 =	simm.s32 @p2 $0x1  }
0x17: {  	s4 =	simm.s32 $0x1BF5;
	[smem:$0x3FBB] =	sst s0  }
0x18: {  	s0 =	sld [smem:$0x3F9E];
	_ =	swait.ge [sflag:s4], $0x0  }
0x19: {  	s7 =	sld [smem:$0x3F9F]  }
0x1a: {  	s8 =	sadd.s32 $0xFFFFE003, lr  }
0x1b: {  	s9 =	sadd.s32 $0xFFFFFEF7, lr;
	s5 =	simm.s32 $0xFFFFFFFF;
	p2 =	slt.u32 s8, $0xFFFFF086  }
0x1c: {  	p1 =	slt.u32 s9, $0xF7A;
	s5 =	simm.s32 @!p2 $0x0  }
0x1d: {  	s5 =	simm.s32 @p1 $0x1;
	p0 =	seq.s32 s7, s2  }
0x1e: {  	s7 =	smul.u32 @!p0 $0xF7A, s2;
	p2 =	seq.s32 @!p0 s5, $0x0  }
0x1f: {  	s9 =	smul.u32 $0xF7A, s1;
	s8 =	simm.s32 @!p0 $0x1BF5;
	p2 =	por !p2, p0  }
0x20: {  	[sflag:s8] =	ssyncset.s32 @!p0 $0xFFFFF086;
	s6 =	sadd.s32 @!p0 s3, s7;
	s7 =	simm.s32 @!p0 $0x108  }
0x21: {  	s3 =	sadd.s32 s3, s9;
	s6 =	sadd.s32 @!p0 $0x88, s6;
	s7 =	simm.s32 @p2 $0x1082  }
0x22: {  	[simem:s7], [sflag:s8] =	dma.local @!p0 [hbm:s6], $0xF7A  }
0x23: {  	s9 =	sor.u32 $0xD0000000, s2;
	s6 =	simm.s32 $0x108;
	_ =	swait.ge @!p0 [sflag:s8], $0x0  }
0x24: {  	s3 =	sadd.s32 $0x88, s3;
	s6 =	simm.s32 @!p1 $0x1082;
	[sflag:s4] =	ssyncset.s32 $0xFFFFF086  }
0x25: {  	[simem:s6], [sflag:s4] =	dma.local [hbm:s3], $0xF7A  }
0x26: {  	[smem:$0x3F9F] =	sst s1;
	(tag) =	ssettag s2;
	_ =	strace s9  }
0x27: {  	s1 =	sld [smem:$0x3FAF]  }
0x28: {  	s2 =	sld [smem:$0x3FB0]  }
0x29: {  	s4 =	sld [smem:$0x3FB2]  }
0x2a: {  	p0 =	seq.s32 s5, $0x0;
	s5 =	sld [smem:$0x3FB3]  }
0x2b: {  	s6 =	sld [smem:$0x3FB4]  }
0x2c: {  	s7 =	sld [smem:$0x3FB5]  }
0x2d: {  	s3 =	simm.s32 $0x108;
	s8 =	sld [smem:$0x3FB6]  }
0x2e: {  	s3 =	simm.s32 @!p0 $0x1082;
	s9 =	sld [smem:$0x3FB7]  }
0x2f: {  	lr =	sadd.s32 s0, s3;
	s0 =	sld [smem:$0x3FAE]  }
0x30: {  	s3 =	sld [smem:$0x3FB1]  }
0x31: {  	[smem:$0x3FBA] =	sst s10  }
0x32: {  	s10 =	sld [smem:$0x3FB8];
	_ =	sdelay $0x3  }
0x33: {  	p0 =	seq.s32 s10, $0x1;
	s10 =	sld [smem:$0x3FBA];
	_ =	sdelay $0x3  }
0x34: {  	[smem:$0x3FBA] =	sst s10  }
0x35: {  	s10 =	sld [smem:$0x3FB9];
	_ =	sdelay $0x3  }
0x36: {  	p1 =	seq.s32 s10, $0x1;
	s10 =	sld [smem:$0x3FBA];
	_ =	sdelay $0x3  }
0x37: {  	[smem:$0x3FBA] =	sst s10  }
0x38: {  	s10 =	sld [smem:$0x3FBB]  }
0x39: {  	_ = 	snop;
	(pc) =	sbr.ind lr, $3  }
0x3a: {  	_ = 	snop  }
0x3b: {  	_ = 	snop  }
0x3c: {  	p2 =	seq.s32 s10, $0x1;
	s10 =	sld [smem:$0x3FBA]  }
0x3d: {  	_ =	shalt  }
0x3e: {  	_ =	shalt  }
0x3f: {  	_ =	shalt  }
0x40: {  	_ =	shalt  }
0x41: {  	_ =	shalt  }
0x42: {  	_ =	shalt  }
0x43: {  	_ =	shalt  }
0x44: {  	_ =	shalt  }
0x45: {  	_ =	shalt  }
0x46: {  	_ =	shalt  }
0x47: {  	_ =	shalt  }
0x48: {  	_ =	shalt  }
0x49: {  	_ =	shalt  }
0x4a: {  	_ =	shalt  }
0x4b: {  	_ =	shalt  }
0x4c: {  	_ =	shalt  }
0x4d: {  	_ =	shalt  }
0x4e: {  	_ =	shalt  }
0x4f: {  	_ =	shalt  }
0x50: {  	_ =	shalt  }
0x51: {  	_ =	shalt  }
0x52: {  	_ =	shalt  }
0x53: {  	_ =	shalt  }
0x54: {  	_ =	shalt  }
0x55: {  	_ =	shalt  }
0x56: {  	_ =	shalt  }
0x57: {  	_ =	shalt  }
0x58: {  	_ =	shalt  }
0x59: {  	_ =	shalt  }
0x5a: {  	_ =	shalt  }
0x5b: {  	_ =	shalt  }
0x5c: {  	_ =	shalt  }
0x5d: {  	_ =	shalt  }
0x5e: {  	_ =	shalt  }
0x5f: {  	_ =	shalt  }
0x60: {  	_ =	shalt  }
0x61: {  	_ =	shalt  }
0x62: {  	_ =	shalt  }
0x63: {  	_ =	shalt  }
0x64: {  	_ =	shalt  }
0x65: {  	_ =	shalt  }
0x66: {  	_ =	shalt  }
0x67: {  	_ =	shalt  }
0x68: {  	_ =	shalt  }
0x69: {  	_ =	shalt  }
0x6a: {  	_ =	shalt  }
0x6b: {  	_ =	shalt  }
0x6c: {  	_ =	shalt  }
0x6d: {  	_ =	shalt  }
0x6e: {  	_ =	shalt  }
0x6f: {  	_ =	shalt  }
0x70: {  	_ =	shalt  }
0x71: {  	_ =	shalt  }
0x72: {  	_ =	shalt  }
0x73: {  	_ =	shalt  }
0x74: {  	_ =	shalt  }
0x75: {  	_ =	shalt  }
0x76: {  	_ =	shalt  }
0x77: {  	_ =	shalt  }
0x78: {  	_ =	shalt  }
0x79: {  	_ =	shalt  }
0x7a: {  	_ =	shalt  }
0x7b: {  	_ =	shalt  }
0x7c: {  	_ =	shalt  }
0x7d: {  	_ =	shalt  }
0x7e: {  	_ =	shalt  }
0x7f: {  	_ =	shalt  }
0x80: {  	_ =	shalt  }
0x81: {  	_ =	shalt  }
0x82: {  	_ =	shalt  }
0x83: {  	_ =	shalt  }
0x84: {  	_ =	shalt  }
0x85: {  	_ =	shalt  }
0x86: {  	_ =	shalt  }
0x87: {  	_ =	shalt  }
.Lfunc_end0:
.L_simem_size_0:
called_computation_lowered:
.L_overlay_start_0:
0x88: {  	s2 =	sld [smem:$0x3FD9]  }
0x89: {  	s3 =	sld [smem:$0x3FFE];
	_ =	sdelay $0x1  }
0x8a: {  	s1 =	srdreg.scid  }
0x8b: {  	s0 =	sand.u32 $0x1, s1  }
0x8c: {  	s14 =	sshll.u32 s0, $0xA;
	s2 =	sadd.s32 s3, s2  }
0x8d: {  	s2 =	sadd.s32 s2, s14  }
0x8e: {  	[smem:$0x3FC6] =	sst s2  }
0x8f: {  	_ = 	snop  }
0x90: {  	s2 =	sld [smem:$0x3FD0];
	_ =	sdelay $0x2  }
0x91: {  	s4 =	simm.s32 $0xA;
	s5 =	simm.s32 $0x10;
	s15 =	sld [smem:$0x3FC8]  }
0x92: {  	[smem:s5], [sflag:s4] =	dma.local [hbm:s2], $0x1  }
0x93: {  	_ =	swait.eq [sflag:s4], $0x1  }
0x94: {  	[sflag:s4] =	ssyncset.done $0x0  }
0x95: {  	[sflag:s4] =	ssyncadd.s32 $0xFFFFFFFF  }
0x96: {  	s16 =	sld [smem:$0x10];
	(tm) =	ssettm $0x1  }
0x97: {  	s17 =	sld [smem:$0x3FFB];
	_ =	sdelay $0x3  }
0x98: {  	_ =	strace s17  }
0x99: {  	s4 =	sld [smem:$0x3FFC];
	_ =	sdelay $0x3  }
0x9a: {  	_ =	strace s4  }
0x9b: {  	s4 =	sld [smem:$0x3FFD];
	_ =	sdelay $0x3  }
0x9c: {  	_ =	strace s4  }
0x9d: {  	_ =	strace $0x8FFFFFFF  }
0x9e: {  	s18 =	sld [smem:$0x3FDB];
	_ =	sdelay $0x1  }
0x9f: {  	s19 =	simm.s32 $_scs_section_size  }
0xa0: {  	s6 =	simm.s32 $_size__tile_overlayer_lowered;
	s7 =	simm.s32 $_tile_overlayer_lowered  }
0xa1: {  	s22 =	simm.s32 $0x1BFF;
	s21 =	sshll.u32 s7, $0x1;
	s4 =	sadd.s32 s19, s18  }
0xa2: {  	s8 =	simm.s32 $0x0;
	s20 =	sshll.u32 s6, $0x1;
	s6 =	sadd.s32 s21, s4  }
0xa3: {  	[timem:s8], [sflag:s22] =	dma.local [hbm:s6], s20  }
0xa4: {  	_ =	swait.ge [sflag:s22], s20  }
0xa5: {  	s5 =	ssub.s32 $0x0, s20;
	[sflag:s22] =	ssyncset.done $0x0  }
0xa6: {  	[sflag:s22] =	ssyncadd.s32 s5;
	_ =	sdelay $0x1  }
0xa7: {  	s23 =	simm.s32 $0x1B8B  }
0xa8: {  	_ =	swait.ge [sflag:s23], $0x1  }
0xa9: {  	[sflag:s23] =	ssyncset.done $0x0  }
0xaa: {  	s25 =	simm.s32 $0x1B8E;
	s24 =	sld [smem:$0x3FFE];
	[sflag:s23] =	ssyncadd.s32 $0xFFFFFFFF  }
0xab: {  	s26 =	simm.s32 $execute0_lowered;
	[smem:$0x3FD2] =	sst s25  }
0xac: {  	s6 =	sshll.u32 s26, $0x1;
	_ =	strace $0x80000046;
	[dreg:$0x1] =	wrdreg $0xFFFFFFFF  }
0xad: {  	s28 =	simm.s32 $_size_execute0_lowered;
	s4 =	sadd.s32 s4, s6;
	[dreg:$0x0] =	wrdreg $0x0  }
0xae: {  	s6 =	sshll.u32 s28, $0x1;
	[dreg:$0x2] =	wrdreg s4  }
0xaf: {  	[dreg:$0x3] =	wrdreg s6  }
0xb0: {  	[dreg:$0x4] =	wrdreg $0xC0  }
0xb1: {  	_ =	task [dreg:s8], $0x5FFFF  }
0xb2: {  	[dreg:$0x1] =	wrdreg $0xFFFFFFFF  }
0xb3: {  	[dreg:$0x0] =	wrdreg $0x60  }
0xb4: {  	[dreg:$0x2] =	wrdreg s24  }
0xb5: {  	[dreg:$0x3] =	wrdreg s15  }
0xb6: {  	[dreg:$0x4] =	wrdreg s16  }
0xb7: {  	[dreg:$0x5] =	wrdreg $0x103800  }
0xb8: {  	[dreg:$0x6] =	wrdreg $0x9  }
0xb9: {  	_ =	task.clear_ibuf [dreg:s8], $0x7FFFF;
	_ =	strace $0x90000046  }
0xba: {  	s29 =	simm.s32 $0x9;
	_ =	strace $0x80000048  }
0xbb: {  	_ =	swait.ge [sflag:s29], $0x1  }
0xbc: {  	[sflag:s29] =	ssyncadd.s32 $0xFFFFFFFF  }
0xbd: {  	_ =	strace $0x90000048  }
0xbe: {  	_ =	sfence  }
0xbf: {  	s30 =	sld [smem:$0x0];
	_ =	sdelay $0x2  }
0xc0: {  	s31 =	sshll.u32 s1, $0xD;
	s1 =	sshrl.u32 s1, $0x2  }
0xc1: {  	s3 =	sand.u32 $0x4000, s31;
	s1 =	sadd.s32 s1, s30  }
0xc2: {  	s0 =	sor.u32 s3, s0;
	s1 =	sshll.u32 s1, $0x11  }
0xc3: {  	s0 =	sor.u32 s1, s0  }
0xc4: {  	s0 =	sadd.s32 $0x8F2B, s0  }
0xc5: {  	[sflag:s0] =	ssyncadd.remote.s32 $0x1  }
0xc6: {  	_ =	sfence.sel $0xFFFF  }
0xc7: {  	[dreg:$0x0] =	wrdreg $0xFFFFFFFF;
	(pc) =	sbr.abs _section_cstart, $3  }
0xc8: {  	[dreg:$0x1] =	wrdreg $0xFFFFFFFF  }
0xc9: {  	_ =	task.clear_ibuf [dreg:s8], $0x2FFFF;
	_ =	strace $0x9FFFFFFF  }
0xca: {  	(tm) =	ssettm $0x7FFFFFFF  }
0xcb: {  	_ =	shalt  }
tec
execute0_lowered:
.L_overlay_start_1:
0x0: {  	(tag) =	ssettag $0x1  }
0x1: {  	s4 =	rddreg [dreg:$0x0]  }
0x2: {  	s0 =	rddreg [dreg:$0x1];
	s7 =	stileid.u32  }
0x3: {  	s1 =	srdreg.scid;
	s6 =	rddreg [dreg:$0x2];
	s3 =	sshll.u32 s7, $0x5  }
0x4: {  	s2 =	rddreg [dreg:$0x3];
	s10 =	sand.u32 $0x60, s3;
	s3 =	simm.s32 $0x0  }
0x5: {  	s14 =	simm.s32 $0x900;
	s15 =	simm.s32 $0x1100;
	[smem:$0x7FF] =	sst s3  }
0x6: {  	s16 =	simm.s32 $0x1900;
	_ =	strace $0x80000047;
	[dreg:$0x9] =	wrdreg s14  }
0x7: {  	s17 =	simm.s32 $0x2100;
	s18 =	simm.s32 $0x2900;
	[dreg:$0xa] =	wrdreg s15  }
0x8: {  	s19 =	simm.s32 $0x3100;
	s20 =	simm.s32 $0x3900;
	[dreg:$0xb] =	wrdreg s16  }
0x9: {  	s21 =	simm.s32 $0x4100;
	s22 =	simm.s32 $0x4900;
	[dreg:$0xc] =	wrdreg s17  }
0xa: {  	s23 =	simm.s32 $0x5100;
	s24 =	simm.s32 $0x5900;
	[dreg:$0xd] =	wrdreg s18  }
0xb: {  	s26 =	simm.s32 $0x6100;
	s28 =	simm.s32 $0x6900;
	[dreg:$0xe] =	wrdreg s19  }
0xc: {  	s29 =	simm.s32 $0x7100;
	s30 =	simm.s32 $0x7900;
	[dreg:$0xf] =	wrdreg s20  }
0xd: {  	s31 =	simm.s32 $0x8100;
	s5 =	sand.u32 $0x1, s1;
	[dreg:$0x10] =	wrdreg s21  }
0xe: {  	s1 =	sshll.u32 s7, $0x9;
	p0 =	sne.s32 s7, $0x0;
	[dreg:$0x11] =	wrdreg s22  }
0xf: {  	s8 =	sshll.u32 s5, $0x4;
	s5 =	ssub.s32 $0x2, s5;
	[dreg:$0x12] =	wrdreg s23  }
0x10: {  	s9 =	sor.u32 s7, s8;
	s10 =	sadd.s32 s10, s4;
	[dreg:$0x13] =	wrdreg s24  }
0x11: {  	s4 =	sadd.s32 s8, s4;
	s25 =	sshrl.u32 s5, $0x1;
	[dreg:$0x14] =	wrdreg s26  }
0x12: {  	s7 =	simm.s32 $0x8900;
	s8 =	simm.s32 $0x9100;
	[dreg:$0x15] =	wrdreg s28  }
0x13: {  	s11 =	sshll.u32 s9, $0x5;
	s4 =	sadd.s32 $0x1000, s4;
	[dreg:$0x16] =	wrdreg s29  }
0x14: {  	s12 =	sshll.u32 s9, $0xD;
	s5 =	ssub.s32 s5, s25;
	[dreg:$0x17] =	wrdreg s30  }
0x15: {  	[dreg:$0x18] =	wrdreg s31;
	s9 =	simm.s32 $0x9900;
	s14 =	simm.s32 $0xC100  }
0x16: {  	s15 =	simm.s32 $0xC900;
	s16 =	simm.s32 $0xD100;
	s17 =	simm.s32 $0xD900  }
0x17: {  	s18 =	simm.s32 $0xE100;
	s19 =	simm.s32 $0xE900;
	s20 =	simm.s32 $0xF100  }
0x18: {  	s21 =	simm.s32 $0xF900;
	s22 =	simm.s32 $0x10180;
	s23 =	simm.s32 $0x80  }
0x19: {  	s24 =	simm.s32 $0x10100;
	s25 =	simm.s32 $0x1;
	s11 =	sand.u32 $0x380, s11  }
0x1a: {  	[dreg:$0x7] =	wrdreg s4;
	s13 =	sadd.s32 s6, s12;
	s4 =	smax.u32 s5, $0x1  }
0x1b: {  	s5 =	simm.s32 $0x2;
	s6 =	simm.s32 $0x100;
	s12 =	simm.s32 $0xB100  }
0x1c: {  	v2 =	vlaneseq.u32;
	vm0 =	vmmov $0xffff;
	s10 =	sadd.s32 s11, s10;
	s11 =	sadd.s32 s1, s2;
	[dreg:$0x8] =	wrdreg s13  }
0x1d: {  	v3 =	vimm.f32 $0.0e+00;
	v4 =	vimm.f32 $1.000000000e+00;
	v1 =	vshrl.u32 v2, $0x3;
	s13 =	simm.s32 $0xB900;
	s10 =	sadd.s32 $0xC00, s10;
	[dreg:$0x6] =	wrdreg s11  }
0x1e: {  	v0 =	vand.u32 $0x7, v2;
	v2 =	vor.u32 $0x8, v2;
	v1 =	vmul.u32 $0x8, v1;
	s11 =	simm.s32 $0xA900;
	[dreg:$0x5] =	wrdreg s10;
	s10 =	simm.s32 $0xA100  }
.LBB2_1:
0x1f: {  	s26 =	rddreg [dreg:$0x5]  }
0x20: {  	[tilespmem:s3], [sflag:$0x2] =	stream.linear.gather [hbm4b:s26+s3], $0x100, $0x38;
	[tilespmem:$0x10580] =	vst v63  }
0x21: {  	_ =	swait.ge [sflag:s5], $0x100  }
0x22: {  	[sflag:s5] =	ssyncset.done $0x0  }
0x23: {  	[sflag:s5] =	ssyncadd.s32 $0xFFFFFF00  }
0x24: {  	v5 =	vld [tilespmem:$0x0];
	_ =	sdelay $0x4  }
0x25: {  	v6 =	vshll.u32 v5, $0x1  }
0x26: {  	v5 =	vand.u32 $0x7, v5;
	v6 =	vand.u32 $0xFFFFFFF0, v6  }
0x27: {  	v5 =	vor.u32 v5, v6  }
0x28: {  	v6 =	vperm.xlane v5, v0;
	_ =	sdelay $0x1  }
0x29: {  	v5 =	vperm.xlane v5, v2;
	v6 =	vadd.s32 v1, v6;
	_ =	sdelay $0x1  }
0x2a: {  	v5 =	vadd.s32 v1, v5;
	_ =	sdelay $0x2  }
0x2b: {  	[tilespmem:s6], [sflag:$0x1] =	stream.indirect_vreg.gather [hbm4b:s0+s3], $0x80, v6, vm0, $0xb8;
	[tilespmem:$0x10580] =	vst v63  }
0x2c: {  	s31 =	rddreg [dreg:$0x9]  }
0x2d: {  	[tilespmem:s31], [sflag:$0x1] =	stream.indirect_vreg.gather [hbm4b:s0+s3], $0x80, v5, vm0, $0xb8;
	[tilespmem:$0x10580] =	vst v63  }
0x2e: {  	v5 =	vld [tilespmem:$0x10];
	_ =	sdelay $0x4  }
0x2f: {  	v6 =	vshll.u32 v5, $0x1  }
0x30: {  	v5 =	vand.u32 $0x7, v5;
	v6 =	vand.u32 $0xFFFFFFF0, v6  }
0x31: {  	v5 =	vor.u32 v5, v6  }
0x32: {  	v6 =	vperm.xlane v5, v0;
	_ =	sdelay $0x1  }
0x33: {  	v5 =	vperm.xlane v5, v2;
	v6 =	vadd.s32 v1, v6;
	_ =	sdelay $0x1  }
0x34: {  	v5 =	vadd.s32 v1, v5;
	_ =	sdelay $0x1  }
0x35: {  	s1 =	rddreg [dreg:$0xa]  }
0x36: {  	[tilespmem:s1], [sflag:$0x1] =	stream.indirect_vreg.gather [hbm4b:s0+s3], $0x80, v6, vm0, $0xb8;
	[tilespmem:$0x10580] =	vst v63  }
0x37: {  	s28 =	rddreg [dreg:$0xb]  }
0x38: {  	[tilespmem:s28], [sflag:$0x1] =	stream.indirect_vreg.gather [hbm4b:s0+s3], $0x80, v5, vm0, $0xb8;
	[tilespmem:$0x10580] =	vst v63  }
0x39: {  	v5 =	vld [tilespmem:$0x20];
	_ =	sdelay $0x4  }
0x3a: {  	v6 =	vshll.u32 v5, $0x1  }
0x3b: {  	v5 =	vand.u32 $0x7, v5;
	v6 =	vand.u32 $0xFFFFFFF0, v6  }
0x3c: {  	v5 =	vor.u32 v5, v6  }
0x3d: {  	v6 =	vperm.xlane v5, v0;
	_ =	sdelay $0x1  }
0x3e: {  	v5 =	vperm.xlane v5, v2;
	v6 =	vadd.s32 v1, v6;
	_ =	sdelay $0x1  }
0x3f: {  	v5 =	vadd.s32 v1, v5;
	_ =	sdelay $0x1  }
0x40: {  	s29 =	rddreg [dreg:$0xc]  }
0x41: {  	[tilespmem:s29], [sflag:$0x1] =	stream.indirect_vreg.gather [hbm4b:s0+s3], $0x80, v6, vm0, $0xb8;
	[tilespmem:$0x10580] =	vst v63  }
0x42: {  	s30 =	rddreg [dreg:$0xd]  }
0x43: {  	[tilespmem:s30], [sflag:$0x1] =	stream.indirect_vreg.gather [hbm4b:s0+s3], $0x80, v5, vm0, $0xb8;
	[tilespmem:$0x10580] =	vst v63  }
0x44: {  	v5 =	vld [tilespmem:$0x30];
	_ =	sdelay $0x4  }
0x45: {  	v6 =	vshll.u32 v5, $0x1  }
0x46: {  	v5 =	vand.u32 $0x7, v5;
	v6 =	vand.u32 $0xFFFFFFF0, v6  }
0x47: {  	v5 =	vor.u32 v5, v6  }
0x48: {  	v6 =	vperm.xlane v5, v0;
	_ =	sdelay $0x1  }
0x49: {  	v5 =	vperm.xlane v5, v2;
	v6 =	vadd.s32 v1, v6;
	_ =	sdelay $0x1  }
0x4a: {  	v5 =	vadd.s32 v1, v5;
	_ =	sdelay $0x1  }
0x4b: {  	s31 =	rddreg [dreg:$0xe]  }
0x4c: {  	[tilespmem:s31], [sflag:$0x1] =	stream.indirect_vreg.gather [hbm4b:s0+s3], $0x80, v6, vm0, $0xb8;
	[tilespmem:$0x10580] =	vst v63  }
0x4d: {  	s1 =	rddreg [dreg:$0xf]  }
0x4e: {  	[tilespmem:s1], [sflag:$0x1] =	stream.indirect_vreg.gather [hbm4b:s0+s3], $0x80, v5, vm0, $0xb8;
	[tilespmem:$0x10580] =	vst v63  }
0x4f: {  	v5 =	vld [tilespmem:$0x40];
	_ =	sdelay $0x4  }
0x50: {  	v6 =	vshll.u32 v5, $0x1  }
0x51: {  	v5 =	vand.u32 $0x7, v5;
	v6 =	vand.u32 $0xFFFFFFF0, v6  }
0x52: {  	v5 =	vor.u32 v5, v6  }
0x53: {  	v6 =	vperm.xlane v5, v0;
	_ =	sdelay $0x1  }
0x54: {  	v5 =	vperm.xlane v5, v2;
	v6 =	vadd.s32 v1, v6;
	_ =	sdelay $0x1  }
0x55: {  	v5 =	vadd.s32 v1, v5;
	_ =	sdelay $0x1  }
0x56: {  	s29 =	rddreg [dreg:$0x10]  }
0x57: {  	[tilespmem:s29], [sflag:$0x1] =	stream.indirect_vreg.gather [hbm4b:s0+s3], $0x80, v6, vm0, $0xb8;
	[tilespmem:$0x10580] =	vst v63  }
0x58: {  	s30 =	rddreg [dreg:$0x11]  }
0x59: {  	[tilespmem:s30], [sflag:$0x1] =	stream.indirect_vreg.gather [hbm4b:s0+s3], $0x80, v5, vm0, $0xb8;
	[tilespmem:$0x10580] =	vst v63  }
0x5a: {  	v5 =	vld [tilespmem:$0x50];
	_ =	sdelay $0x4  }
0x5b: {  	v6 =	vshll.u32 v5, $0x1  }
0x5c: {  	v5 =	vand.u32 $0x7, v5;
	v6 =	vand.u32 $0xFFFFFFF0, v6  }
0x5d: {  	v5 =	vor.u32 v5, v6  }
0x5e: {  	v6 =	vperm.xlane v5, v0;
	_ =	sdelay $0x1  }
0x5f: {  	v5 =	vperm.xlane v5, v2;
	v6 =	vadd.s32 v1, v6;
	_ =	sdelay $0x1  }
0x60: {  	v5 =	vadd.s32 v1, v5;
	_ =	sdelay $0x1  }
0x61: {  	s31 =	rddreg [dreg:$0x12]  }
0x62: {  	[tilespmem:s31], [sflag:$0x1] =	stream.indirect_vreg.gather [hbm4b:s0+s3], $0x80, v6, vm0, $0xb8;
	[tilespmem:$0x10580] =	vst v63  }
0x63: {  	s1 =	rddreg [dreg:$0x13]  }
0x64: {  	[tilespmem:s1], [sflag:$0x1] =	stream.indirect_vreg.gather [hbm4b:s0+s3], $0x80, v5, vm0, $0xb8;
	[tilespmem:$0x10580] =	vst v63  }
0x65: {  	v5 =	vld [tilespmem:$0x60];
	_ =	sdelay $0x4  }
0x66: {  	v6 =	vshll.u32 v5, $0x1  }
0x67: {  	v5 =	vand.u32 $0x7, v5;
	v6 =	vand.u32 $0xFFFFFFF0, v6  }
0x68: {  	v5 =	vor.u32 v5, v6  }
0x69: {  	v6 =	vperm.xlane v5, v0;
	_ =	sdelay $0x1  }
0x6a: {  	v5 =	vperm.xlane v5, v2;
	v6 =	vadd.s32 v1, v6;
	_ =	sdelay $0x1  }
0x6b: {  	v5 =	vadd.s32 v1, v5;
	_ =	sdelay $0x1  }
0x6c: {  	s29 =	rddreg [dreg:$0x14]  }
0x6d: {  	[tilespmem:s29], [sflag:$0x1] =	stream.indirect_vreg.gather [hbm4b:s0+s3], $0x80, v6, vm0, $0xb8;
	[tilespmem:$0x10580] =	vst v63  }
0x6e: {  	s30 =	rddreg [dreg:$0x15]  }
0x6f: {  	[tilespmem:s30], [sflag:$0x1] =	stream.indirect_vreg.gather [hbm4b:s0+s3], $0x80, v5, vm0, $0xb8;
	[tilespmem:$0x10580] =	vst v63  }
0x70: {  	v5 =	vld [tilespmem:$0x70];
	_ =	sdelay $0x4  }
0x71: {  	v6 =	vshll.u32 v5, $0x1  }
0x72: {  	v5 =	vand.u32 $0x7, v5;
	v6 =	vand.u32 $0xFFFFFFF0, v6  }
0x73: {  	v5 =	vor.u32 v5, v6  }
0x74: {  	v6 =	vperm.xlane v5, v0;
	_ =	sdelay $0x1  }
0x75: {  	v5 =	vperm.xlane v5, v2;
	v6 =	vadd.s32 v1, v6;
	_ =	sdelay $0x1  }
0x76: {  	v5 =	vadd.s32 v1, v5;
	_ =	sdelay $0x1  }
0x77: {  	s31 =	rddreg [dreg:$0x16]  }
0x78: {  	[tilespmem:s31], [sflag:$0x1] =	stream.indirect_vreg.gather [hbm4b:s0+s3], $0x80, v6, vm0, $0xb8;
	[tilespmem:$0x10580] =	vst v63  }
0x79: {  	s1 =	rddreg [dreg:$0x17]  }
0x7a: {  	[tilespmem:s1], [sflag:$0x1] =	stream.indirect_vreg.gather [hbm4b:s0+s3], $0x80, v5, vm0, $0xb8;
	[tilespmem:$0x10580] =	vst v63  }
0x7b: {  	v5 =	vld [tilespmem:$0x80];
	_ =	sdelay $0x4  }
0x7c: {  	v6 =	vshll.u32 v5, $0x1  }
0x7d: {  	v5 =	vand.u32 $0x7, v5;
	v6 =	vand.u32 $0xFFFFFFF0, v6  }
0x7e: {  	v5 =	vor.u32 v5, v6  }
0x7f: {  	v6 =	vperm.xlane v5, v0;
	_ =	sdelay $0x1  }
0x80: {  	v5 =	vperm.xlane v5, v2;
	v6 =	vadd.s32 v1, v6;
	_ =	sdelay $0x1  }
0x81: {  	v5 =	vadd.s32 v1, v5;
	_ =	sdelay $0x1  }
0x82: {  	s29 =	rddreg [dreg:$0x18]  }
0x83: {  	[tilespmem:s29], [sflag:$0x1] =	stream.indirect_vreg.gather [hbm4b:s0+s3], $0x80, v6, vm0, $0xb8;
	[tilespmem:$0x10580] =	vst v63  }
0x84: {  	_ = 	snop  }
0x85: {  	[tilespmem:s7], [sflag:$0x1] =	stream.indirect_vreg.gather [hbm4b:s0+s3], $0x80, v5, vm0, $0xb8;
	[tilespmem:$0x10580] =	vst v63  }
0x86: {  	v5 =	vld [tilespmem:$0x90];
	_ =	sdelay $0x4  }
0x87: {  	v6 =	vshll.u32 v5, $0x1  }
0x88: {  	v5 =	vand.u32 $0x7, v5;
	v6 =	vand.u32 $0xFFFFFFF0, v6  }
0x89: {  	v5 =	vor.u32 v5, v6  }
0x8a: {  	v6 =	vperm.xlane v5, v0;
	_ =	sdelay $0x1  }
0x8b: {  	v5 =	vperm.xlane v5, v2;
	v6 =	vadd.s32 v1, v6;
	_ =	sdelay $0x1  }
0x8c: {  	v5 =	vadd.s32 v1, v5;
	_ =	sdelay $0x2  }
0x8d: {  	[tilespmem:s8], [sflag:$0x1] =	stream.indirect_vreg.gather [hbm4b:s0+s3], $0x80, v6, vm0, $0xb8;
	[tilespmem:$0x10580] =	vst v63  }
0x8e: {  	_ = 	snop  }
0x8f: {  	[tilespmem:s9], [sflag:$0x1] =	stream.indirect_vreg.gather [hbm4b:s0+s3], $0x80, v5, vm0, $0xb8;
	[tilespmem:$0x10580] =	vst v63  }
0x90: {  	v5 =	vld [tilespmem:$0xA0];
	_ =	sdelay $0x4  }
0x91: {  	v6 =	vshll.u32 v5, $0x1  }
0x92: {  	v5 =	vand.u32 $0x7, v5;
	v6 =	vand.u32 $0xFFFFFFF0, v6  }
0x93: {  	v5 =	vor.u32 v5, v6  }
0x94: {  	v6 =	vperm.xlane v5, v0;
	_ =	sdelay $0x1  }
0x95: {  	v5 =	vperm.xlane v5, v2;
	v6 =	vadd.s32 v1, v6;
	_ =	sdelay $0x1  }
0x96: {  	v5 =	vadd.s32 v1, v5;
	_ =	sdelay $0x2  }
0x97: {  	[tilespmem:s10], [sflag:$0x1] =	stream.indirect_vreg.gather [hbm4b:s0+s3], $0x80, v6, vm0, $0xb8;
	[tilespmem:$0x10580] =	vst v63  }
0x98: {  	_ = 	snop  }
0x99: {  	[tilespmem:s11], [sflag:$0x1] =	stream.indirect_vreg.gather [hbm4b:s0+s3], $0x80, v5, vm0, $0xb8;
	[tilespmem:$0x10580] =	vst v63  }
0x9a: {  	v5 =	vld [tilespmem:$0xB0];
	_ =	sdelay $0x4  }
0x9b: {  	v6 =	vshll.u32 v5, $0x1  }
0x9c: {  	v5 =	vand.u32 $0x7, v5;
	v6 =	vand.u32 $0xFFFFFFF0, v6  }
0x9d: {  	v5 =	vor.u32 v5, v6  }
0x9e: {  	v6 =	vperm.xlane v5, v0;
	_ =	sdelay $0x1  }
0x9f: {  	v5 =	vperm.xlane v5, v2;
	v6 =	vadd.s32 v1, v6;
	_ =	sdelay $0x1  }
0xa0: {  	v5 =	vadd.s32 v1, v5;
	_ =	sdelay $0x2  }
0xa1: {  	[tilespmem:s12], [sflag:$0x1] =	stream.indirect_vreg.gather [hbm4b:s0+s3], $0x80, v6, vm0, $0xb8;
	[tilespmem:$0x10580] =	vst v63  }
0xa2: {  	_ = 	snop  }
0xa3: {  	[tilespmem:s13], [sflag:$0x1] =	stream.indirect_vreg.gather [hbm4b:s0+s3], $0x80, v5, vm0, $0xb8;
	[tilespmem:$0x10580] =	vst v63  }
0xa4: {  	v5 =	vld [tilespmem:$0xC0];
	_ =	sdelay $0x4  }
0xa5: {  	v6 =	vshll.u32 v5, $0x1  }
0xa6: {  	v5 =	vand.u32 $0x7, v5;
	v6 =	vand.u32 $0xFFFFFFF0, v6  }
0xa7: {  	v5 =	vor.u32 v5, v6  }
0xa8: {  	v6 =	vperm.xlane v5, v0;
	_ =	sdelay $0x1  }
0xa9: {  	v5 =	vperm.xlane v5, v2;
	v6 =	vadd.s32 v1, v6;
	_ =	sdelay $0x1  }
0xaa: {  	v5 =	vadd.s32 v1, v5;
	_ =	sdelay $0x2  }
0xab: {  	[tilespmem:s14], [sflag:$0x1] =	stream.indirect_vreg.gather [hbm4b:s0+s3], $0x80, v6, vm0, $0xb8;
	[tilespmem:$0x10580] =	vst v63  }
0xac: {  	_ = 	snop  }
0xad: {  	[tilespmem:s15], [sflag:$0x1] =	stream.indirect_vreg.gather [hbm4b:s0+s3], $0x80, v5, vm0, $0xb8;
	[tilespmem:$0x10580] =	vst v63  }
0xae: {  	v5 =	vld [tilespmem:$0xD0];
	_ =	sdelay $0x4  }
0xaf: {  	v6 =	vshll.u32 v5, $0x1  }
0xb0: {  	v5 =	vand.u32 $0x7, v5;
	v6 =	vand.u32 $0xFFFFFFF0, v6  }
0xb1: {  	v5 =	vor.u32 v5, v6  }
0xb2: {  	v6 =	vperm.xlane v5, v0;
	_ =	sdelay $0x1  }
0xb3: {  	v5 =	vperm.xlane v5, v2;
	v6 =	vadd.s32 v1, v6;
	_ =	sdelay $0x1  }
0xb4: {  	v5 =	vadd.s32 v1, v5;
	_ =	sdelay $0x2  }
0xb5: {  	[tilespmem:s16], [sflag:$0x1] =	stream.indirect_vreg.gather [hbm4b:s0+s3], $0x80, v6, vm0, $0xb8;
	[tilespmem:$0x10580] =	vst v63  }
0xb6: {  	_ = 	snop  }
0xb7: {  	[tilespmem:s17], [sflag:$0x1] =	stream.indirect_vreg.gather [hbm4b:s0+s3], $0x80, v5, vm0, $0xb8;
	[tilespmem:$0x10580] =	vst v63  }
0xb8: {  	v5 =	vld [tilespmem:$0xE0];
	_ =	sdelay $0x4  }
0xb9: {  	v6 =	vshll.u32 v5, $0x1  }
0xba: {  	v5 =	vand.u32 $0x7, v5;
	v6 =	vand.u32 $0xFFFFFFF0, v6  }
0xbb: {  	v5 =	vor.u32 v5, v6  }
0xbc: {  	v6 =	vperm.xlane v5, v0;
	_ =	sdelay $0x1  }
0xbd: {  	v5 =	vperm.xlane v5, v2;
	v6 =	vadd.s32 v1, v6;
	_ =	sdelay $0x1  }
0xbe: {  	v5 =	vadd.s32 v1, v5;
	_ =	sdelay $0x2  }
0xbf: {  	[tilespmem:s18], [sflag:$0x1] =	stream.indirect_vreg.gather [hbm4b:s0+s3], $0x80, v6, vm0, $0xb8;
	[tilespmem:$0x10580] =	vst v63  }
0xc0: {  	_ = 	snop  }
0xc1: {  	[tilespmem:s19], [sflag:$0x1] =	stream.indirect_vreg.gather [hbm4b:s0+s3], $0x80, v5, vm0, $0xb8;
	[tilespmem:$0x10580] =	vst v63  }
0xc2: {  	v5 =	vld [tilespmem:$0xF0];
	_ =	sdelay $0x4  }
0xc3: {  	v6 =	vshll.u32 v5, $0x1  }
0xc4: {  	v5 =	vand.u32 $0x7, v5;
	v6 =	vand.u32 $0xFFFFFFF0, v6  }
0xc5: {  	v5 =	vor.u32 v5, v6  }
0xc6: {  	v6 =	vperm.xlane v5, v0;
	_ =	sdelay $0x1  }
0xc7: {  	v5 =	vperm.xlane v5, v2;
	v6 =	vadd.s32 v1, v6;
	_ =	sdelay $0x1  }
0xc8: {  	v5 =	vadd.s32 v1, v5;
	_ =	sdelay $0x2  }
0xc9: {  	[tilespmem:s20], [sflag:$0x1] =	stream.indirect_vreg.gather [hbm4b:s0+s3], $0x80, v6, vm0, $0xb8;
	[tilespmem:$0x10580] =	vst v63  }
0xca: {  	_ = 	snop  }
0xcb: {  	[tilespmem:s21], [sflag:$0x1] =	stream.indirect_vreg.gather [hbm4b:s0+s3], $0x80, v5, vm0, $0xb8;
	[tilespmem:$0x10580] =	vst v63  }
0xcc: {  	[tilespmem:$0x10180] =	vst v3  }
0xcd: {  	[tilespmem:$0x10190] =	vst v3  }
0xce: {  	[tilespmem:$0x101A0] =	vst v3  }
0xcf: {  	[tilespmem:$0x101B0] =	vst v3  }
0xd0: {  	[tilespmem:$0x101C0] =	vst v3  }
0xd1: {  	[tilespmem:$0x101D0] =	vst v3  }
0xd2: {  	[tilespmem:$0x101E0] =	vst v3  }
0xd3: {  	[tilespmem:$0x101F0] =	vst v3  }
0xd4: {  	[tilespmem:$0x10200] =	vst v3  }
0xd5: {  	[tilespmem:$0x10210] =	vst v3  }
0xd6: {  	[tilespmem:$0x10220] =	vst v3  }
0xd7: {  	[tilespmem:$0x10230] =	vst v3  }
0xd8: {  	[tilespmem:$0x10240] =	vst v3  }
0xd9: {  	[tilespmem:$0x10250] =	vst v3  }
0xda: {  	[tilespmem:$0x10260] =	vst v3  }
0xdb: {  	[tilespmem:$0x10270] =	vst v3  }
0xdc: {  	[tilespmem:$0x10280] =	vst v3  }
0xdd: {  	[tilespmem:$0x10290] =	vst v3  }
0xde: {  	[tilespmem:$0x102A0] =	vst v3  }
0xdf: {  	[tilespmem:$0x102B0] =	vst v3  }
0xe0: {  	[tilespmem:$0x102C0] =	vst v3  }
0xe1: {  	[tilespmem:$0x102D0] =	vst v3  }
0xe2: {  	[tilespmem:$0x102E0] =	vst v3  }
0xe3: {  	[tilespmem:$0x102F0] =	vst v3  }
0xe4: {  	[tilespmem:$0x10300] =	vst v3  }
0xe5: {  	[tilespmem:$0x10310] =	vst v3  }
0xe6: {  	[tilespmem:$0x10320] =	vst v3  }
0xe7: {  	[tilespmem:$0x10330] =	vst v3  }
0xe8: {  	[tilespmem:$0x10340] =	vst v3  }
0xe9: {  	[tilespmem:$0x10350] =	vst v3  }
0xea: {  	[tilespmem:$0x10360] =	vst v3  }
0xeb: {  	s30 =	rddreg [dreg:$0x6];
	[tilespmem:$0x10370] =	vst v3  }
0xec: {  	[spmem:s30] =	stream.linear.scatter [tilespmem:s22], [sflag:$0x2], $0x200, $0x38;
	[tilespmem:$0x10580] =	vst v63  }
0xed: {  	_ =	swait.ge [sflag:s5], $0x200  }
0xee: {  	[sflag:s5] =	ssyncset.done $0x0  }
0xef: {  	[sflag:s5] =	ssyncadd.s32 $0xFFFFFE00  }
0xf0: {  	[tilespmem:$0x10100] =	vst v4  }
0xf1: {  	[tilespmem:$0x10110] =	vst v4  }
0xf2: {  	[tilespmem:$0x10120] =	vst v4  }
0xf3: {  	[tilespmem:$0x10130] =	vst v4  }
0xf4: {  	[tilespmem:$0x10140] =	vst v4  }
0xf5: {  	[tilespmem:$0x10150] =	vst v4  }
0xf6: {  	[tilespmem:$0x10160] =	vst v4  }
0xf7: {  	[tilespmem:$0x10170] =	vst v4  }
0xf8: {  	[bflag:$0x0] =	sbarrier.arrive $0xFFFF  }
0xf9: {  	[spmem:s2] =	stream.indirect.scatter.add.f32 [tilespmem:s24], [sflag:$0x2], $0x1, s3, s23, $0xb8;
	[tilespmem:$0x10580] =	vst v63  }
0xfa: {  	_ =	swait.ge [sflag:s5], $0x80  }
0xfb: {  	[sflag:s5] =	ssyncset.done $0x0  }
0xfc: {  	[sflag:s5] =	ssyncadd.s32 $0xFFFFFF80  }
0xfd: {  	[spmem:s2] =	stream.indirect.scatter.add.f32 [tilespmem:s24], [sflag:$0x2], $0x1, s23, s23, $0xb8;
	[tilespmem:$0x10580] =	vst v63  }
0xfe: {  	_ =	swait.ge [sflag:s5], $0x80  }
0xff: {  	[sflag:s5] =	ssyncset.done $0x0  }
0x100: {  	s28 =	sshrl.u32 @!p0 s2, $0x3;
	[sflag:s5] =	ssyncadd.s32 $0xFFFFFF80  }
0x101: {  	s31 =	simm.s32 @!p0 $0x10;
	s1 =	simm.s32 @!p0 $0x1C02;
	[bflag:$0x0] =	sbarrier.arrive $0xFFFF  }
0x102: {  	s29 =	simm.s32 @!p0 $0x1;
	s30 =	simm.s32 @!p0 $0x20;
	s26 =	rddreg [dreg:$0x7]  }
0x103: {  	[hbm:s26@s30], [sflag:s1] =	dma.strided @!p0 [spmem:s28@s31], $0x400, s29, $0x10   }
0x104: {  	s1 =	simm.s32 @!p0 $0x2  }
0x105: {  	_ =	swait.ge @!p0 [sflag:s1], $0x400  }
0x106: {  	[sflag:s1] =	ssyncset.done @!p0 $0x0  }
0x107: {  	[sflag:s1] =	ssyncadd.s32 @!p0 $0xFFFFFC00  }
0x108: {  	_ =	swait.ge [sflag:s25], $0x8000  }
0x109: {  	[sflag:s25] =	ssyncset.done $0x0  }
0x10a: {  	[sflag:s25] =	ssyncadd.s32 $0xFFFF8000  }
0x10b: {  	s4 =	sadd.s32 $0xFFFFFFFF, s4;
	_ =	swait.ge [sflag:s25], $0x8000  }
0x10c: {  	p1 =	sne.s32 s4, $0x0;
	[sflag:s25] =	ssyncset.done $0x0  }
.Ltmp0:
0x10d: {  	s31 =	rddreg [dreg:$0x8];
	[sflag:s25] =	ssyncadd.s32 $0xFFFF8000;
	(pc) =	sbr.rel @p1 .LBB2_1-.Ltmp0, $4  }
0x10e: {  	[hbm4b:s31+s3] =	stream.linear.scatter [tilespmem:s6], [sflag:$0x2], $0x10000, $0x38;
	[tilespmem:$0x10580] =	vst v63  }
0x10f: {  	_ =	swait.ge [sflag:s5], $0x10000  }
0x110: {  	[sflag:s5] =	ssyncset.done $0x0  }
0x111: {  	[sflag:s5] =	ssyncadd.s32 $0xFFFF0000  }
0x112: {  	_ =	sfence.sel $0x180000  }
0x113: {  	[bflag:$0x0] =	sbarrier.arrive $0xFFFF  }
0x114: {  	_ =	strace $0x90000047  }
0x115: {  	[bflag:$0x2] =	sbarrier.arrive $0xFFFF  }
0x116: {  	s0 =	rddreg [dreg:$0x4]  }
0x117: {  	s0 =	sadd.s32 @!p0 $0x100000, s0  }
0x118: {  	[sflag:s0] =	ssyncadd.tile.s32 @!p0 $0x1;
	_ =	shalt  }
.Lfunc_end2:
_tile_overlayer_lowered:
.L_overlay_start_2:
0x119: {  	(tag) =	ssettag $0x2  }
0x11a: {  	s0 =	rddreg [dreg:$0x0];
	s2 =	stileid.u32  }
0x11b: {  	s1 =	rddreg [dreg:$0x1];
	p0 =	sne.s32 s2, $0x0  }
0x11c: {  	s3 =	rddreg [dreg:$0x2];
	[bflag:$0x3] =	sbarrier.arrive $0xFFFF;
	s2 =	simm.s32 @!p0 $0x1C02  }
0x11d: {  	[timem:s3], [sflag:s2] =	dma.local @!p0 [hbm:s0], s1  }
0x11e: {  	s0 =	simm.s32 @!p0 $0x2  }
0x11f: {  	_ =	swait.ge @!p0 [sflag:s0], s1  }
0x120: {  	s1 =	ssub.s32 @!p0 $0x0, s1;
	[sflag:s0] =	ssyncset.done @!p0 $0x0  }
0x121: {  	[sflag:s0] =	ssyncadd.s32 @!p0 s1  }
0x122: {  	[bflag:$0x3] =	sbarrier.arrive $0xFFFF  }
0x123: {  	_ =	shalt  }

</sc_bundles>
